<compile_context>
chip_gen: v7x
topology: tpu7x:2x2x1
jax: 0.10.2.dev20260603
libtpu: 0.0.44.dev20260713+nightly
codegen_flags: <defaults>
</compile_context>

<pallas_src>
import jax
import jax.numpy as jnp
from jax import lax
from jax.experimental import pallas as pl
from jax.experimental.pallas import tpu as pltpu
from jax.experimental.pallas import tpu_sc as plsc

_B = 16384
_D = 32
_V = 1000000
_NC = 2
_NS = 16
_NW = _NC * _NS
_BPW = _B // _NW
_EPW = _BPW * _D
_NDESC = 16
_EPD = _EPW // _NDESC


def _emb_body(table_hbm, idx_hbm, out_hbm, idx_v, offs_v, rows_v, sem):
    wid = lax.axis_index("s") * _NC + lax.axis_index("c")
    base = wid * _BPW
    pltpu.sync_copy(idx_hbm.at[pl.ds(base, _BPW)], idx_v)

    iota = lax.iota(jnp.int32, 16)

    def block(b, carry):
        iv = idx_v[pl.ds(b * 16, 16)] * _D
        for i in range(16):
            j = b * 16 + i
            lo = jnp.full((16,), iv[i], jnp.int32) + iota
            offs_v[pl.ds(j * _D, 16)] = lo
            offs_v[pl.ds(j * _D + 16, 16)] = lo + 16
        return carry

    lax.fori_loop(0, _BPW // 16, block, 0)

    handles = [
        pltpu.async_copy(table_hbm.at[offs_v.at[pl.ds(d * _EPD, _EPD)]],
                         rows_v.at[pl.ds(d * _EPD, _EPD)], sem)
        for d in range(_NDESC)
    ]
    for h in handles:
        h.wait()

    pltpu.sync_copy(rows_v, out_hbm.at[pl.ds(base * _D, _EPW)])


@jax.jit
def _lookup(table1, idx):
    mesh = plsc.VectorSubcoreMesh(core_axis_name="c", subcore_axis_name="s")
    f = pl.kernel(
        _emb_body,
        out_type=jax.ShapeDtypeStruct((_B * _D,), jnp.float32),
        mesh=mesh,
        scratch_types=[
            pltpu.VMEM((_BPW,), jnp.int32),
            pltpu.VMEM((_EPW,), jnp.int32),
            pltpu.VMEM((_EPW,), jnp.float32),
            pltpu.SemaphoreType.DMA,
        ],
    )
    return f(table1, idx)


def kernel(idx, table):
    table1 = table.reshape(-1)
    out = _lookup(table1, idx.astype(jnp.int32))
    return out.reshape(-1, _D, 1, 1)

# --- scband reference (transcript-rebuilt; emitter-appended) ---
"""Pipeline reference for scband-simple-embedding-20100446945848 (READ-ONLY COPY).

The authoritative reference and input builder live on the scoring server;
editing this copy changes nothing except your own understanding.
"""

import jax, jax.numpy as jnp
import numpy as np

EMBEDDING_NUM = 1000000
EMBEDDING_DIM = 32
BATCH = 16384

def setup_inputs(seed: int = 0) -> dict:
    key = jax.random.key(seed)
    k_idx, k_tab = jax.random.split(key)
    idx = jax.random.randint(k_idx, (BATCH,), 0, EMBEDDING_NUM, dtype=jnp.int64 if jax.config.jax_enable_x64 else jnp.int32)
    table = jax.random.normal(k_tab, (EMBEDDING_NUM, EMBEDDING_DIM), dtype=jnp.float32)
    return {"idx": idx, "table": table}

def reference(idx, table):
    # nn.Embedding lookup -> gather rows, then view(-1, embedding_dim, 1, 1)
    emb = jnp.take(table, idx, axis=0)
    return emb.reshape(-1, EMBEDDING_DIM, 1, 1)

if __name__ == "__main__":
    import jax
    _d = setup_inputs()
    print(jax.jit(kernel)(*tuple(_d.values())))

</pallas_src>

<mosaic_0001>
#map = affine_map<(d0, d1) -> (0)>
module attributes {stable_mosaic.version = 14 : i64} {
  func.func @_emb_body(%arg0: i32, %arg1: i32, %arg2: memref<32000000xf32, #tpu.memory_space<hbm>>, %arg3: memref<16384xi32, #tpu.memory_space<hbm>>, %arg4: memref<524288xf32, #tpu.memory_space<hbm>>, %arg5: memref<512xi32, #tpu.memory_space<vmem>>, %arg6: memref<16384xi32, #tpu.memory_space<vmem>>, %arg7: memref<16384xf32, #tpu.memory_space<vmem>>, %arg8: memref<!tpu.dma_semaphore, #tpu.memory_space<semaphore_mem>>) attributes {dimension_semantics = [#tpu.dimension_semantics<core_parallel>, #tpu.dimension_semantics<subcore_parallel>], iteration_bounds = array<i64: 2, 16>, scalar_prefetch = 0 : i64, scratch_operands = 4 : i64, tpu.core_type = #tpu.core_type<sc_vector_subcore>, window_params = [{transform_indices = #map}, {transform_indices = #map}, {transform_indices = #map}]} {
    %mul3A = arith.constant 2 : i32
    %mul3A_0 = arith.muli %arg1, %mul3A : i32
    %add3A = arith.addi %mul3A_0, %arg0 : i32
    %mul3A_1 = arith.constant 512 : i32
    %mul3A_2 = arith.muli %add3A, %mul3A_1 : i32
    "tpu.region"() ({
      %run_scoped3A = tpu.sem_alloc : memref<!tpu.dma_semaphore, #tpu.memory_space<semaphore_mem>>
      %dma_start3A_200 = tpu.memref_slice %arg3[%mul3A_2] : memref<16384xi32, #tpu.memory_space<hbm>> -> memref<512xi32, #tpu.memory_space<hbm>>
      %dma_start3A_201 = tpu.memref_slice %arg3[%mul3A_2] : memref<16384xi32, #tpu.memory_space<hbm>> -> memref<512xi32, #tpu.memory_space<hbm>>
      tpu.enqueue_dma source(%dma_start3A_201 : memref<512xi32, #tpu.memory_space<hbm>>) target(%arg5 : memref<512xi32, #tpu.memory_space<vmem>>) target_semaphore(%run_scoped3A : memref<!tpu.dma_semaphore, #tpu.memory_space<semaphore_mem>>)
      %dma_wait3A_202 = tpu.memref_slice %arg3[%mul3A_2] : memref<16384xi32, #tpu.memory_space<hbm>> -> memref<512xi32, #tpu.memory_space<hbm>>
      %dma_wait3A_203 = tpu.memref_slice %arg3[%mul3A_2] : memref<16384xi32, #tpu.memory_space<hbm>> -> memref<512xi32, #tpu.memory_space<hbm>>
      tpu.wait_dma2 semaphore(%run_scoped3A : memref<!tpu.dma_semaphore, #tpu.memory_space<semaphore_mem>>) src(%dma_wait3A_203 : memref<512xi32, #tpu.memory_space<hbm>>) dst(%arg5 : memref<512xi32, #tpu.memory_space<vmem>>)
      tpu.yield
    }) : () -> ()
    %iota3A = tpu.iota {dimensions = array<i32: 0>} : vector<16xi32>
    %scan3A = arith.constant 0 : i32
    %scan3A_3 = arith.constant 0 : i32
    %scan3A_4 = arith.constant 32 : i32
    %scan3A_5 = arith.addi %scan3A_3, %scan3A_4 : i32
    %scan3A_6 = arith.constant 1 : i32
    scf.for %scan3A_200 = %scan3A_3 to %scan3A_5 step %scan3A_6  : i32 {
      %mul3A_201 = arith.constant 16 : i32
      %mul3A_202 = arith.muli %scan3A_200, %mul3A_201 : i32
      %get3A = arith.index_cast %mul3A_202 : i32 to index
      %get3A_203 = tpu.vector_load %arg5[%get3A] {strides = array<i32>} : memref<512xi32, #tpu.memory_space<vmem>>, vector<16xi32>,
      %get3A_204 = vector.shape_cast %get3A_203 : vector<16xi32> to vector<16xi32>
      %mul3A_205 = arith.constant 32 : i32
      %mul3A_206 = vector.broadcast %mul3A_205 : i32 to vector<16xi32>
      %mul3A_207 = arith.muli %get3A_204, %mul3A_206 : vector<16xi32>
      %mul3A_208 = arith.constant 16 : i32
      %mul3A_209 = arith.muli %scan3A_200, %mul3A_208 : i32
      %add3A_210 = arith.constant 0 : i32
      %add3A_211 = arith.addi %mul3A_209, %add3A_210 : i32
      %slice3A = vector.extract_strided_slice %mul3A_207 {offsets = [0], sizes = [1], strides = [1]} : vector<16xi32> to vector<1xi32>
      %squeeze3A = vector.extract %slice3A[0] : i32 from vector<1xi32>
      %broadcast_in_dim3A = vector.broadcast %squeeze3A : i32 to vector<16xi32>
      %add3A_212 = arith.addi %broadcast_in_dim3A, %iota3A : vector<16xi32>
      %mul3A_213 = arith.constant 32 : i32
      %mul3A_214 = arith.muli %add3A_211, %mul3A_213 : i32
      %swap3A = arith.index_cast %mul3A_214 : i32 to index
      %swap3A_215 = tpu.vector_load %arg6[%swap3A] {strides = array<i32>} : memref<16384xi32, #tpu.memory_space<vmem>>, vector<16xi32>,
      %swap3A_216 = vector.shape_cast %swap3A_215 : vector<16xi32> to vector<16xi32>
      %swap3A_217 = vector.shape_cast %add3A_212 : vector<16xi32> to vector<16xi32>
      tpu.vector_store %arg6[%swap3A], %swap3A_217 {strides = array<i32>} : memref<16384xi32, #tpu.memory_space<vmem>>, vector<16xi32>,
      %add3A_218 = arith.constant 16 : i32
      %add3A_219 = vector.broadcast %add3A_218 : i32 to vector<16xi32>
      %add3A_220 = arith.addi %add3A_212, %add3A_219 : vector<16xi32>
      %mul3A_221 = arith.constant 32 : i32
      %mul3A_222 = arith.muli %add3A_211, %mul3A_221 : i32
      %add3A_223 = arith.constant 16 : i32
      %add3A_224 = arith.addi %mul3A_222, %add3A_223 : i32
      %swap3A_225 = arith.index_cast %add3A_224 : i32 to index
      %swap3A_226 = tpu.vector_load %arg6[%swap3A_225] {strides = array<i32>} : memref<16384xi32, #tpu.memory_space<vmem>>, vector<16xi32>,
      %swap3A_227 = vector.shape_cast %swap3A_226 : vector<16xi32> to vector<16xi32>
      %swap3A_228 = vector.shape_cast %add3A_220 : vector<16xi32> to vector<16xi32>
      tpu.vector_store %arg6[%swap3A_225], %swap3A_228 {strides = array<i32>} : memref<16384xi32, #tpu.memory_space<vmem>>, vector<16xi32>,
      %mul3A_229 = arith.constant 16 : i32
      %mul3A_230 = arith.muli %scan3A_200, %mul3A_229 : i32
      %add3A_231 = arith.constant 1 : i32
      %add3A_232 = arith.addi %mul3A_230, %add3A_231 : i32
      %slice3A_233 = vector.extract_strided_slice %mul3A_207 {offsets = [1], sizes = [1], strides = [1]} : vector<16xi32> to vector<1xi32>
      %squeeze3A_234 = vector.extract %slice3A_233[0] : i32 from vector<1xi32>
      %broadcast_in_dim3A_235 = vector.broadcast %squeeze3A_234 : i32 to vector<16xi32>
      %add3A_236 = arith.addi %broadcast_in_dim3A_235, %iota3A : vector<16xi32>
      %mul3A_237 = arith.constant 32 : i32
      %mul3A_238 = arith.muli %add3A_232, %mul3A_237 : i32
      %swap3A_239 = arith.index_cast %mul3A_238 : i32 to index
      %swap3A_240 = tpu.vector_load %arg6[%swap3A_239] {strides = array<i32>} : memref<16384xi32, #tpu.memory_space<vmem>>, vector<16xi32>,
      %swap3A_241 = vector.shape_cast %swap3A_240 : vector<16xi32> to vector<16xi32>
      %swap3A_242 = vector.shape_cast %add3A_236 : vector<16xi32> to vector<16xi32>
      tpu.vector_store %arg6[%swap3A_239], %swap3A_242 {strides = array<i32>} : memref<16384xi32, #tpu.memory_space<vmem>>, vector<16xi32>,
      %add3A_243 = arith.constant 16 : i32
      %add3A_244 = vector.broadcast %add3A_243 : i32 to vector<16xi32>
      %add3A_245 = arith.addi %add3A_236, %add3A_244 : vector<16xi32>
      %mul3A_246 = arith.constant 32 : i32
      %mul3A_247 = arith.muli %add3A_232, %mul3A_246 : i32
      %add3A_248 = arith.constant 16 : i32
      %add3A_249 = arith.addi %mul3A_247, %add3A_248 : i32
      %swap3A_250 = arith.index_cast %add3A_249 : i32 to index
      %swap3A_251 = tpu.vector_load %arg6[%swap3A_250] {strides = array<i32>} : memref<16384xi32, #tpu.memory_space<vmem>>, vector<16xi32>,
      %swap3A_252 = vector.shape_cast %swap3A_251 : vector<16xi32> to vector<16xi32>
      %swap3A_253 = vector.shape_cast %add3A_245 : vector<16xi32> to vector<16xi32>
      tpu.vector_store %arg6[%swap3A_250], %swap3A_253 {strides = array<i32>} : memref<16384xi32, #tpu.memory_space<vmem>>, vector<16xi32>,
      %mul3A_254 = arith.constant 16 : i32
      %mul3A_255 = arith.muli %scan3A_200, %mul3A_254 : i32
      %add3A_256 = arith.constant 2 : i32
      %add3A_257 = arith.addi %mul3A_255, %add3A_256 : i32
      %slice3A_258 = vector.extract_strided_slice %mul3A_207 {offsets = [2], sizes = [1], strides = [1]} : vector<16xi32> to vector<1xi32>
      %squeeze3A_259 = vector.extract %slice3A_258[0] : i32 from vector<1xi32>
      %broadcast_in_dim3A_260 = vector.broadcast %squeeze3A_259 : i32 to vector<16xi32>
      %add3A_261 = arith.addi %broadcast_in_dim3A_260, %iota3A : vector<16xi32>
      %mul3A_262 = arith.constant 32 : i32
      %mul3A_263 = arith.muli %add3A_257, %mul3A_262 : i32
      %swap3A_264 = arith.index_cast %mul3A_263 : i32 to index
      %swap3A_265 = tpu.vector_load %arg6[%swap3A_264] {strides = array<i32>} : memref<16384xi32, #tpu.memory_space<vmem>>, vector<16xi32>,
      %swap3A_266 = vector.shape_cast %swap3A_265 : vector<16xi32> to vector<16xi32>
      %swap3A_267 = vector.shape_cast %add3A_261 : vector<16xi32> to vector<16xi32>
      tpu.vector_store %arg6[%swap3A_264], %swap3A_267 {strides = array<i32>} : memref<16384xi32, #tpu.memory_space<vmem>>, vector<16xi32>,
      %add3A_268 = arith.constant 16 : i32
      %add3A_269 = vector.broadcast %add3A_268 : i32 to vector<16xi32>
      %add3A_270 = arith.addi %add3A_261, %add3A_269 : vector<16xi32>
      %mul3A_271 = arith.constant 32 : i32
      %mul3A_272 = arith.muli %add3A_257, %mul3A_271 : i32
      %add3A_273 = arith.constant 16 : i32
      %add3A_274 = arith.addi %mul3A_272, %add3A_273 : i32
      %swap3A_275 = arith.index_cast %add3A_274 : i32 to index
      %swap3A_276 = tpu.vector_load %arg6[%swap3A_275] {strides = array<i32>} : memref<16384xi32, #tpu.memory_space<vmem>>, vector<16xi32>,
      %swap3A_277 = vector.shape_cast %swap3A_276 : vector<16xi32> to vector<16xi32>
      %swap3A_278 = vector.shape_cast %add3A_270 : vector<16xi32> to vector<16xi32>
      tpu.vector_store %arg6[%swap3A_275], %swap3A_278 {strides = array<i32>} : memref<16384xi32, #tpu.memory_space<vmem>>, vector<16xi32>,
      %mul3A_279 = arith.constant 16 : i32
      %mul3A_280 = arith.muli %scan3A_200, %mul3A_279 : i32
      %add3A_281 = arith.constant 3 : i32
      %add3A_282 = arith.addi %mul3A_280, %add3A_281 : i32
      %slice3A_283 = vector.extract_strided_slice %mul3A_207 {offsets = [3], sizes = [1], strides = [1]} : vector<16xi32> to vector<1xi32>
      %squeeze3A_284 = vector.extract %slice3A_283[0] : i32 from vector<1xi32>
      %broadcast_in_dim3A_285 = vector.broadcast %squeeze3A_284 : i32 to vector<16xi32>
      %add3A_286 = arith.addi %broadcast_in_dim3A_285, %iota3A : vector<16xi32>
      %mul3A_287 = arith.constant 32 : i32
      %mul3A_288 = arith.muli %add3A_282, %mul3A_287 : i32
      %swap3A_289 = arith.index_cast %mul3A_288 : i32 to index
      %swap3A_290 = tpu.vector_load %arg6[%swap3A_289] {strides = array<i32>} : memref<16384xi32, #tpu.memory_space<vmem>>, vector<16xi32>,
      %swap3A_291 = vector.shape_cast %swap3A_290 : vector<16xi32> to vector<16xi32>
      %swap3A_292 = vector.shape_cast %add3A_286 : vector<16xi32> to vector<16xi32>
      tpu.vector_store %arg6[%swap3A_289], %swap3A_292 {strides = array<i32>} : memref<16384xi32, #tpu.memory_space<vmem>>, vector<16xi32>,
      %add3A_293 = arith.constant 16 : i32
      %add3A_294 = vector.broadcast %add3A_293 : i32 to vector<16xi32>
      %add3A_295 = arith.addi %add3A_286, %add3A_294 : vector<16xi32>
      %mul3A_296 = arith.constant 32 : i32
      %mul3A_297 = arith.muli %add3A_282, %mul3A_296 : i32
      %add3A_298 = arith.constant 16 : i32
      %add3A_299 = arith.addi %mul3A_297, %add3A_298 : i32
      %swap3A_300 = arith.index_cast %add3A_299 : i32 to index
      %swap3A_301 = tpu.vector_load %arg6[%swap3A_300] {strides = array<i32>} : memref<16384xi32, #tpu.memory_space<vmem>>, vector<16xi32>,
      %swap3A_302 = vector.shape_cast %swap3A_301 : vector<16xi32> to vector<16xi32>
      %swap3A_303 = vector.shape_cast %add3A_295 : vector<16xi32> to vector<16xi32>
      tpu.vector_store %arg6[%swap3A_300], %swap3A_303 {strides = array<i32>} : memref<16384xi32, #tpu.memory_space<vmem>>, vector<16xi32>,
      %mul3A_304 = arith.constant 16 : i32
      %mul3A_305 = arith.muli %scan3A_200, %mul3A_304 : i32
      %add3A_306 = arith.constant 4 : i32
      %add3A_307 = arith.addi %mul3A_305, %add3A_306 : i32
      %slice3A_308 = vector.extract_strided_slice %mul3A_207 {offsets = [4], sizes = [1], strides = [1]} : vector<16xi32> to vector<1xi32>
      %squeeze3A_309 = vector.extract %slice3A_308[0] : i32 from vector<1xi32>
      %broadcast_in_dim3A_310 = vector.broadcast %squeeze3A_309 : i32 to vector<16xi32>
      %add3A_311 = arith.addi %broadcast_in_dim3A_310, %iota3A : vector<16xi32>
      %mul3A_312 = arith.constant 32 : i32
      %mul3A_313 = arith.muli %add3A_307, %mul3A_312 : i32
      %swap3A_314 = arith.index_cast %mul3A_313 : i32 to index
      %swap3A_315 = tpu.vector_load %arg6[%swap3A_314] {strides = array<i32>} : memref<16384xi32, #tpu.memory_space<vmem>>, vector<16xi32>,
      %swap3A_316 = vector.shape_cast %swap3A_315 : vector<16xi32> to vector<16xi32>
      %swap3A_317 = vector.shape_cast %add3A_311 : vector<16xi32> to vector<16xi32>
      tpu.vector_store %arg6[%swap3A_314], %swap3A_317 {strides = array<i32>} : memref<16384xi32, #tpu.memory_space<vmem>>, vector<16xi32>,
      %add3A_318 = arith.constant 16 : i32
      %add3A_319 = vector.broadcast %add3A_318 : i32 to vector<16xi32>
      %add3A_320 = arith.addi %add3A_311, %add3A_319 : vector<16xi32>
      %mul3A_321 = arith.constant 32 : i32
      %mul3A_322 = arith.muli %add3A_307, %mul3A_321 : i32
      %add3A_323 = arith.constant 16 : i32
      %add3A_324 = arith.addi %mul3A_322, %add3A_323 : i32
      %swap3A_325 = arith.index_cast %add3A_324 : i32 to index
      %swap3A_326 = tpu.vector_load %arg6[%swap3A_325] {strides = array<i32>} : memref<16384xi32, #tpu.memory_space<vmem>>, vector<16xi32>,
      %swap3A_327 = vector.shape_cast %swap3A_326 : vector<16xi32> to vector<16xi32>
      %swap3A_328 = vector.shape_cast %add3A_320 : vector<16xi32> to vector<16xi32>
      tpu.vector_store %arg6[%swap3A_325], %swap3A_328 {strides = array<i32>} : memref<16384xi32, #tpu.memory_space<vmem>>, vector<16xi32>,
      %mul3A_329 = arith.constant 16 : i32
      %mul3A_330 = arith.muli %scan3A_200, %mul3A_329 : i32
      %add3A_331 = arith.constant 5 : i32
      %add3A_332 = arith.addi %mul3A_330, %add3A_331 : i32
      %slice3A_333 = vector.extract_strided_slice %mul3A_207 {offsets = [5], sizes = [1], strides = [1]} : vector<16xi32> to vector<1xi32>
      %squeeze3A_334 = vector.extract %slice3A_333[0] : i32 from vector<1xi32>
      %broadcast_in_dim3A_335 = vector.broadcast %squeeze3A_334 : i32 to vector<16xi32>
      %add3A_336 = arith.addi %broadcast_in_dim3A_335, %iota3A : vector<16xi32>
      %mul3A_337 = arith.constant 32 : i32
      %mul3A_338 = arith.muli %add3A_332, %mul3A_337 : i32
      %swap3A_339 = arith.index_cast %mul3A_338 : i32 to index
      %swap3A_340 = tpu.vector_load %arg6[%swap3A_339] {strides = array<i32>} : memref<16384xi32, #tpu.memory_space<vmem>>, vector<16xi32>,
      %swap3A_341 = vector.shape_cast %swap3A_340 : vector<16xi32> to vector<16xi32>
      %swap3A_342 = vector.shape_cast %add3A_336 : vector<16xi32> to vector<16xi32>
      tpu.vector_store %arg6[%swap3A_339], %swap3A_342 {strides = array<i32>} : memref<16384xi32, #tpu.memory_space<vmem>>, vector<16xi32>,
      %add3A_343 = arith.constant 16 : i32
      %add3A_344 = vector.broadcast %add3A_343 : i32 to vector<16xi32>
      %add3A_345 = arith.addi %add3A_336, %add3A_344 : vector<16xi32>
      %mul3A_346 = arith.constant 32 : i32
      %mul3A_347 = arith.muli %add3A_332, %mul3A_346 : i32
      %add3A_348 = arith.constant 16 : i32
      %add3A_349 = arith.addi %mul3A_347, %add3A_348 : i32
      %swap3A_350 = arith.index_cast %add3A_349 : i32 to index
      %swap3A_351 = tpu.vector_load %arg6[%swap3A_350] {strides = array<i32>} : memref<16384xi32, #tpu.memory_space<vmem>>, vector<16xi32>,
      %swap3A_352 = vector.shape_cast %swap3A_351 : vector<16xi32> to vector<16xi32>
      %swap3A_353 = vector.shape_cast %add3A_345 : vector<16xi32> to vector<16xi32>
      tpu.vector_store %arg6[%swap3A_350], %swap3A_353 {strides = array<i32>} : memref<16384xi32, #tpu.memory_space<vmem>>, vector<16xi32>,
      %mul3A_354 = arith.constant 16 : i32
      %mul3A_355 = arith.muli %scan3A_200, %mul3A_354 : i32
      %add3A_356 = arith.constant 6 : i32
      %add3A_357 = arith.addi %mul3A_355, %add3A_356 : i32
      %slice3A_358 = vector.extract_strided_slice %mul3A_207 {offsets = [6], sizes = [1], strides = [1]} : vector<16xi32> to vector<1xi32>
      %squeeze3A_359 = vector.extract %slice3A_358[0] : i32 from vector<1xi32>
      %broadcast_in_dim3A_360 = vector.broadcast %squeeze3A_359 : i32 to vector<16xi32>
      %add3A_361 = arith.addi %broadcast_in_dim3A_360, %iota3A : vector<16xi32>
      %mul3A_362 = arith.constant 32 : i32
      %mul3A_363 = arith.muli %add3A_357, %mul3A_362 : i32
      %swap3A_364 = arith.index_cast %mul3A_363 : i32 to index
      %swap3A_365 = tpu.vector_load %arg6[%swap3A_364] {strides = array<i32>} : memref<16384xi32, #tpu.memory_space<vmem>>, vector<16xi32>,
      %swap3A_366 = vector.shape_cast %swap3A_365 : vector<16xi32> to vector<16xi32>
      %swap3A_367 = vector.shape_cast %add3A_361 : vector<16xi32> to vector<16xi32>
      tpu.vector_store %arg6[%swap3A_364], %swap3A_367 {strides = array<i32>} : memref<16384xi32, #tpu.memory_space<vmem>>, vector<16xi32>,
      %add3A_368 = arith.constant 16 : i32
      %add3A_369 = vector.broadcast %add3A_368 : i32 to vector<16xi32>
      %add3A_370 = arith.addi %add3A_361, %add3A_369 : vector<16xi32>
      %mul3A_371 = arith.constant 32 : i32
      %mul3A_372 = arith.muli %add3A_357, %mul3A_371 : i32
      %add3A_373 = arith.constant 16 : i32
      %add3A_374 = arith.addi %mul3A_372, %add3A_373 : i32
      %swap3A_375 = arith.index_cast %add3A_374 : i32 to index
      %swap3A_376 = tpu.vector_load %arg6[%swap3A_375] {strides = array<i32>} : memref<16384xi32, #tpu.memory_space<vmem>>, vector<16xi32>,
      %swap3A_377 = vector.shape_cast %swap3A_376 : vector<16xi32> to vector<16xi32>
      %swap3A_378 = vector.shape_cast %add3A_370 : vector<16xi32> to vector<16xi32>
      tpu.vector_store %arg6[%swap3A_375], %swap3A_378 {strides = array<i32>} : memref<16384xi32, #tpu.memory_space<vmem>>, vector<16xi32>,
      %mul3A_379 = arith.constant 16 : i32
      %mul3A_380 = arith.muli %scan3A_200, %mul3A_379 : i32
      %add3A_381 = arith.constant 7 : i32
      %add3A_382 = arith.addi %mul3A_380, %add3A_381 : i32
      %slice3A_383 = vector.extract_strided_slice %mul3A_207 {offsets = [7], sizes = [1], strides = [1]} : vector<16xi32> to vector<1xi32>
      %squeeze3A_384 = vector.extract %slice3A_383[0] : i32 from vector<1xi32>
      %broadcast_in_dim3A_385 = vector.broadcast %squeeze3A_384 : i32 to vector<16xi32>
      %add3A_386 = arith.addi %broadcast_in_dim3A_385, %iota3A : vector<16xi32>
      %mul3A_387 = arith.constant 32 : i32
      %mul3A_388 = arith.muli %add3A_382, %mul3A_387 : i32
      %swap3A_389 = arith.index_cast %mul3A_388 : i32 to index
      %swap3A_390 = tpu.vector_load %arg6[%swap3A_389] {strides = array<i32>} : memref<16384xi32, #tpu.memory_space<vmem>>, vector<16xi32>,
      %swap3A_391 = vector.shape_cast %swap3A_390 : vector<16xi32> to vector<16xi32>
      %swap3A_392 = vector.shape_cast %add3A_386 : vector<16xi32> to vector<16xi32>
      tpu.vector_store %arg6[%swap3A_389], %swap3A_392 {strides = array<i32>} : memref<16384xi32, #tpu.memory_space<vmem>>, vector<16xi32>,
      %add3A_393 = arith.constant 16 : i32
      %add3A_394 = vector.broadcast %add3A_393 : i32 to vector<16xi32>
      %add3A_395 = arith.addi %add3A_386, %add3A_394 : vector<16xi32>
      %mul3A_396 = arith.constant 32 : i32
      %mul3A_397 = arith.muli %add3A_382, %mul3A_396 : i32
      %add3A_398 = arith.constant 16 : i32
      %add3A_399 = arith.addi %mul3A_397, %add3A_398 : i32
      %swap3A_400 = arith.index_cast %add3A_399 : i32 to index
      %swap3A_401 = tpu.vector_load %arg6[%swap3A_400] {strides = array<i32>} : memref<16384xi32, #tpu.memory_space<vmem>>, vector<16xi32>,
      %swap3A_402 = vector.shape_cast %swap3A_401 : vector<16xi32> to vector<16xi32>
      %swap3A_403 = vector.shape_cast %add3A_395 : vector<16xi32> to vector<16xi32>
      tpu.vector_store %arg6[%swap3A_400], %swap3A_403 {strides = array<i32>} : memref<16384xi32, #tpu.memory_space<vmem>>, vector<16xi32>,
      %mul3A_404 = arith.constant 16 : i32
      %mul3A_405 = arith.muli %scan3A_200, %mul3A_404 : i32
      %add3A_406 = arith.constant 8 : i32
      %add3A_407 = arith.addi %mul3A_405, %add3A_406 : i32
      %slice3A_408 = vector.extract_strided_slice %mul3A_207 {offsets = [8], sizes = [1], strides = [1]} : vector<16xi32> to vector<1xi32>
      %squeeze3A_409 = vector.extract %slice3A_408[0] : i32 from vector<1xi32>
      %broadcast_in_dim3A_410 = vector.broadcast %squeeze3A_409 : i32 to vector<16xi32>
      %add3A_411 = arith.addi %broadcast_in_dim3A_410, %iota3A : vector<16xi32>
      %mul3A_412 = arith.constant 32 : i32
      %mul3A_413 = arith.muli %add3A_407, %mul3A_412 : i32
      %swap3A_414 = arith.index_cast %mul3A_413 : i32 to index
      %swap3A_415 = tpu.vector_load %arg6[%swap3A_414] {strides = array<i32>} : memref<16384xi32, #tpu.memory_space<vmem>>, vector<16xi32>,
      %swap3A_416 = vector.shape_cast %swap3A_415 : vector<16xi32> to vector<16xi32>
      %swap3A_417 = vector.shape_cast %add3A_411 : vector<16xi32> to vector<16xi32>
      tpu.vector_store %arg6[%swap3A_414], %swap3A_417 {strides = array<i32>} : memref<16384xi32, #tpu.memory_space<vmem>>, vector<16xi32>,
      %add3A_418 = arith.constant 16 : i32
      %add3A_419 = vector.broadcast %add3A_418 : i32 to vector<16xi32>
      %add3A_420 = arith.addi %add3A_411, %add3A_419 : vector<16xi32>
      %mul3A_421 = arith.constant 32 : i32
      %mul3A_422 = arith.muli %add3A_407, %mul3A_421 : i32
      %add3A_423 = arith.constant 16 : i32
      %add3A_424 = arith.addi %mul3A_422, %add3A_423 : i32
      %swap3A_425 = arith.index_cast %add3A_424 : i32 to index
      %swap3A_426 = tpu.vector_load %arg6[%swap3A_425] {strides = array<i32>} : memref<16384xi32, #tpu.memory_space<vmem>>, vector<16xi32>,
      %swap3A_427 = vector.shape_cast %swap3A_426 : vector<16xi32> to vector<16xi32>
      %swap3A_428 = vector.shape_cast %add3A_420 : vector<16xi32> to vector<16xi32>
      tpu.vector_store %arg6[%swap3A_425], %swap3A_428 {strides = array<i32>} : memref<16384xi32, #tpu.memory_space<vmem>>, vector<16xi32>,
      %mul3A_429 = arith.constant 16 : i32
      %mul3A_430 = arith.muli %scan3A_200, %mul3A_429 : i32
      %add3A_431 = arith.constant 9 : i32
      %add3A_432 = arith.addi %mul3A_430, %add3A_431 : i32
      %slice3A_433 = vector.extract_strided_slice %mul3A_207 {offsets = [9], sizes = [1], strides = [1]} : vector<16xi32> to vector<1xi32>
      %squeeze3A_434 = vector.extract %slice3A_433[0] : i32 from vector<1xi32>
      %broadcast_in_dim3A_435 = vector.broadcast %squeeze3A_434 : i32 to vector<16xi32>
      %add3A_436 = arith.addi %broadcast_in_dim3A_435, %iota3A : vector<16xi32>
      %mul3A_437 = arith.constant 32 : i32
      %mul3A_438 = arith.muli %add3A_432, %mul3A_437 : i32
      %swap3A_439 = arith.index_cast %mul3A_438 : i32 to index
      %swap3A_440 = tpu.vector_load %arg6[%swap3A_439] {strides = array<i32>} : memref<16384xi32, #tpu.memory_space<vmem>>, vector<16xi32>,
      %swap3A_441 = vector.shape_cast %swap3A_440 : vector<16xi32> to vector<16xi32>
      %swap3A_442 = vector.shape_cast %add3A_436 : vector<16xi32> to vector<16xi32>
      tpu.vector_store %arg6[%swap3A_439], %swap3A_442 {strides = array<i32>} : memref<16384xi32, #tpu.memory_space<vmem>>, vector<16xi32>,
      %add3A_443 = arith.constant 16 : i32
      %add3A_444 = vector.broadcast %add3A_443 : i32 to vector<16xi32>
      %add3A_445 = arith.addi %add3A_436, %add3A_444 : vector<16xi32>
      %mul3A_446 = arith.constant 32 : i32
      %mul3A_447 = arith.muli %add3A_432, %mul3A_446 : i32
      %add3A_448 = arith.constant 16 : i32
      %add3A_449 = arith.addi %mul3A_447, %add3A_448 : i32
      %swap3A_450 = arith.index_cast %add3A_449 : i32 to index
      %swap3A_451 = tpu.vector_load %arg6[%swap3A_450] {strides = array<i32>} : memref<16384xi32, #tpu.memory_space<vmem>>, vector<16xi32>,
      %swap3A_452 = vector.shape_cast %swap3A_451 : vector<16xi32> to vector<16xi32>
      %swap3A_453 = vector.shape_cast %add3A_445 : vector<16xi32> to vector<16xi32>
      tpu.vector_store %arg6[%swap3A_450], %swap3A_453 {strides = array<i32>} : memref<16384xi32, #tpu.memory_space<vmem>>, vector<16xi32>,
      %mul3A_454 = arith.constant 16 : i32
      %mul3A_455 = arith.muli %scan3A_200, %mul3A_454 : i32
      %add3A_456 = arith.constant 10 : i32
      %add3A_457 = arith.addi %mul3A_455, %add3A_456 : i32
      %slice3A_458 = vector.extract_strided_slice %mul3A_207 {offsets = [10], sizes = [1], strides = [1]} : vector<16xi32> to vector<1xi32>
      %squeeze3A_459 = vector.extract %slice3A_458[0] : i32 from vector<1xi32>
      %broadcast_in_dim3A_460 = vector.broadcast %squeeze3A_459 : i32 to vector<16xi32>
      %add3A_461 = arith.addi %broadcast_in_dim3A_460, %iota3A : vector<16xi32>
      %mul3A_462 = arith.constant 32 : i32
      %mul3A_463 = arith.muli %add3A_457, %mul3A_462 : i32
      %swap3A_464 = arith.index_cast %mul3A_463 : i32 to index
      %swap3A_465 = tpu.vector_load %arg6[%swap3A_464] {strides = array<i32>} : memref<16384xi32, #tpu.memory_space<vmem>>, vector<16xi32>,
      %swap3A_466 = vector.shape_cast %swap3A_465 : vector<16xi32> to vector<16xi32>
      %swap3A_467 = vector.shape_cast %add3A_461 : vector<16xi32> to vector<16xi32>
      tpu.vector_store %arg6[%swap3A_464], %swap3A_467 {strides = array<i32>} : memref<16384xi32, #tpu.memory_space<vmem>>, vector<16xi32>,
      %add3A_468 = arith.constant 16 : i32
      %add3A_469 = vector.broadcast %add3A_468 : i32 to vector<16xi32>
      %add3A_470 = arith.addi %add3A_461, %add3A_469 : vector<16xi32>
      %mul3A_471 = arith.constant 32 : i32
      %mul3A_472 = arith.muli %add3A_457, %mul3A_471 : i32
      %add3A_473 = arith.constant 16 : i32
      %add3A_474 = arith.addi %mul3A_472, %add3A_473 : i32
      %swap3A_475 = arith.index_cast %add3A_474 : i32 to index
      %swap3A_476 = tpu.vector_load %arg6[%swap3A_475] {strides = array<i32>} : memref<16384xi32, #tpu.memory_space<vmem>>, vector<16xi32>,
      %swap3A_477 = vector.shape_cast %swap3A_476 : vector<16xi32> to vector<16xi32>
      %swap3A_478 = vector.shape_cast %add3A_470 : vector<16xi32> to vector<16xi32>
      tpu.vector_store %arg6[%swap3A_475], %swap3A_478 {strides = array<i32>} : memref<16384xi32, #tpu.memory_space<vmem>>, vector<16xi32>,
      %mul3A_479 = arith.constant 16 : i32
      %mul3A_480 = arith.muli %scan3A_200, %mul3A_479 : i32
      %add3A_481 = arith.constant 11 : i32
      %add3A_482 = arith.addi %mul3A_480, %add3A_481 : i32
      %slice3A_483 = vector.extract_strided_slice %mul3A_207 {offsets = [11], sizes = [1], strides = [1]} : vector<16xi32> to vector<1xi32>
      %squeeze3A_484 = vector.extract %slice3A_483[0] : i32 from vector<1xi32>
      %broadcast_in_dim3A_485 = vector.broadcast %squeeze3A_484 : i32 to vector<16xi32>
      %add3A_486 = arith.addi %broadcast_in_dim3A_485, %iota3A : vector<16xi32>
      %mul3A_487 = arith.constant 32 : i32
      %mul3A_488 = arith.muli %add3A_482, %mul3A_487 : i32
      %swap3A_489 = arith.index_cast %mul3A_488 : i32 to index
      %swap3A_490 = tpu.vector_load %arg6[%swap3A_489] {strides = array<i32>} : memref<16384xi32, #tpu.memory_space<vmem>>, vector<16xi32>,
      %swap3A_491 = vector.shape_cast %swap3A_490 : vector<16xi32> to vector<16xi32>
      %swap3A_492 = vector.shape_cast %add3A_486 : vector<16xi32> to vector<16xi32>
      tpu.vector_store %arg6[%swap3A_489], %swap3A_492 {strides = array<i32>} : memref<16384xi32, #tpu.memory_space<vmem>>, vector<16xi32>,
      %add3A_493 = arith.constant 16 : i32
      %add3A_494 = vector.broadcast %add3A_493 : i32 to vector<16xi32>
      %add3A_495 = arith.addi %add3A_486, %add3A_494 : vector<16xi32>
      %mul3A_496 = arith.constant 32 : i32
      %mul3A_497 = arith.muli %add3A_482, %mul3A_496 : i32
      %add3A_498 = arith.constant 16 : i32
      %add3A_499 = arith.addi %mul3A_497, %add3A_498 : i32
      %swap3A_500 = arith.index_cast %add3A_499 : i32 to index
      %swap3A_501 = tpu.vector_load %arg6[%swap3A_500] {strides = array<i32>} : memref<16384xi32, #tpu.memory_space<vmem>>, vector<16xi32>,
      %swap3A_502 = vector.shape_cast %swap3A_501 : vector<16xi32> to vector<16xi32>
      %swap3A_503 = vector.shape_cast %add3A_495 : vector<16xi32> to vector<16xi32>
      tpu.vector_store %arg6[%swap3A_500], %swap3A_503 {strides = array<i32>} : memref<16384xi32, #tpu.memory_space<vmem>>, vector<16xi32>,
      %mul3A_504 = arith.constant 16 : i32
      %mul3A_505 = arith.muli %scan3A_200, %mul3A_504 : i32
      %add3A_506 = arith.constant 12 : i32
      %add3A_507 = arith.addi %mul3A_505, %add3A_506 : i32
      %slice3A_508 = vector.extract_strided_slice %mul3A_207 {offsets = [12], sizes = [1], strides = [1]} : vector<16xi32> to vector<1xi32>
      %squeeze3A_509 = vector.extract %slice3A_508[0] : i32 from vector<1xi32>
      %broadcast_in_dim3A_510 = vector.broadcast %squeeze3A_509 : i32 to vector<16xi32>
      %add3A_511 = arith.addi %broadcast_in_dim3A_510, %iota3A : vector<16xi32>
      %mul3A_512 = arith.constant 32 : i32
      %mul3A_513 = arith.muli %add3A_507, %mul3A_512 : i32
      %swap3A_514 = arith.index_cast %mul3A_513 : i32 to index
      %swap3A_515 = tpu.vector_load %arg6[%swap3A_514] {strides = array<i32>} : memref<16384xi32, #tpu.memory_space<vmem>>, vector<16xi32>,
      %swap3A_516 = vector.shape_cast %swap3A_515 : vector<16xi32> to vector<16xi32>
      %swap3A_517 = vector.shape_cast %add3A_511 : vector<16xi32> to vector<16xi32>
      tpu.vector_store %arg6[%swap3A_514], %swap3A_517 {strides = array<i32>} : memref<16384xi32, #tpu.memory_space<vmem>>, vector<16xi32>,
      %add3A_518 = arith.constant 16 : i32
      %add3A_519 = vector.broadcast %add3A_518 : i32 to vector<16xi32>
      %add3A_520 = arith.addi %add3A_511, %add3A_519 : vector<16xi32>
      %mul3A_521 = arith.constant 32 : i32
      %mul3A_522 = arith.muli %add3A_507, %mul3A_521 : i32
      %add3A_523 = arith.constant 16 : i32
      %add3A_524 = arith.addi %mul3A_522, %add3A_523 : i32
      %swap3A_525 = arith.index_cast %add3A_524 : i32 to index
      %swap3A_526 = tpu.vector_load %arg6[%swap3A_525] {strides = array<i32>} : memref<16384xi32, #tpu.memory_space<vmem>>, vector<16xi32>,
      %swap3A_527 = vector.shape_cast %swap3A_526 : vector<16xi32> to vector<16xi32>
      %swap3A_528 = vector.shape_cast %add3A_520 : vector<16xi32> to vector<16xi32>
      tpu.vector_store %arg6[%swap3A_525], %swap3A_528 {strides = array<i32>} : memref<16384xi32, #tpu.memory_space<vmem>>, vector<16xi32>,
      %mul3A_529 = arith.constant 16 : i32
      %mul3A_530 = arith.muli %scan3A_200, %mul3A_529 : i32
      %add3A_531 = arith.constant 13 : i32
      %add3A_532 = arith.addi %mul3A_530, %add3A_531 : i32
      %slice3A_533 = vector.extract_strided_slice %mul3A_207 {offsets = [13], sizes = [1], strides = [1]} : vector<16xi32> to vector<1xi32>
      %squeeze3A_534 = vector.extract %slice3A_533[0] : i32 from vector<1xi32>
      %broadcast_in_dim3A_535 = vector.broadcast %squeeze3A_534 : i32 to vector<16xi32>
      %add3A_536 = arith.addi %broadcast_in_dim3A_535, %iota3A : vector<16xi32>
      %mul3A_537 = arith.constant 32 : i32
      %mul3A_538 = arith.muli %add3A_532, %mul3A_537 : i32
      %swap3A_539 = arith.index_cast %mul3A_538 : i32 to index
      %swap3A_540 = tpu.vector_load %arg6[%swap3A_539] {strides = array<i32>} : memref<16384xi32, #tpu.memory_space<vmem>>, vector<16xi32>,
      %swap3A_541 = vector.shape_cast %swap3A_540 : vector<16xi32> to vector<16xi32>
      %swap3A_542 = vector.shape_cast %add3A_536 : vector<16xi32> to vector<16xi32>
      tpu.vector_store %arg6[%swap3A_539], %swap3A_542 {strides = array<i32>} : memref<16384xi32, #tpu.memory_space<vmem>>, vector<16xi32>,
      %add3A_543 = arith.constant 16 : i32
      %add3A_544 = vector.broadcast %add3A_543 : i32 to vector<16xi32>
      %add3A_545 = arith.addi %add3A_536, %add3A_544 : vector<16xi32>
      %mul3A_546 = arith.constant 32 : i32
      %mul3A_547 = arith.muli %add3A_532, %mul3A_546 : i32
      %add3A_548 = arith.constant 16 : i32
      %add3A_549 = arith.addi %mul3A_547, %add3A_548 : i32
      %swap3A_550 = arith.index_cast %add3A_549 : i32 to index
      %swap3A_551 = tpu.vector_load %arg6[%swap3A_550] {strides = array<i32>} : memref<16384xi32, #tpu.memory_space<vmem>>, vector<16xi32>,
      %swap3A_552 = vector.shape_cast %swap3A_551 : vector<16xi32> to vector<16xi32>
      %swap3A_553 = vector.shape_cast %add3A_545 : vector<16xi32> to vector<16xi32>
      tpu.vector_store %arg6[%swap3A_550], %swap3A_553 {strides = array<i32>} : memref<16384xi32, #tpu.memory_space<vmem>>, vector<16xi32>,
      %mul3A_554 = arith.constant 16 : i32
      %mul3A_555 = arith.muli %scan3A_200, %mul3A_554 : i32
      %add3A_556 = arith.constant 14 : i32
      %add3A_557 = arith.addi %mul3A_555, %add3A_556 : i32
      %slice3A_558 = vector.extract_strided_slice %mul3A_207 {offsets = [14], sizes = [1], strides = [1]} : vector<16xi32> to vector<1xi32>
      %squeeze3A_559 = vector.extract %slice3A_558[0] : i32 from vector<1xi32>
      %broadcast_in_dim3A_560 = vector.broadcast %squeeze3A_559 : i32 to vector<16xi32>
      %add3A_561 = arith.addi %broadcast_in_dim3A_560, %iota3A : vector<16xi32>
      %mul3A_562 = arith.constant 32 : i32
      %mul3A_563 = arith.muli %add3A_557, %mul3A_562 : i32
      %swap3A_564 = arith.index_cast %mul3A_563 : i32 to index
      %swap3A_565 = tpu.vector_load %arg6[%swap3A_564] {strides = array<i32>} : memref<16384xi32, #tpu.memory_space<vmem>>, vector<16xi32>,
      %swap3A_566 = vector.shape_cast %swap3A_565 : vector<16xi32> to vector<16xi32>
      %swap3A_567 = vector.shape_cast %add3A_561 : vector<16xi32> to vector<16xi32>
      tpu.vector_store %arg6[%swap3A_564], %swap3A_567 {strides = array<i32>} : memref<16384xi32, #tpu.memory_space<vmem>>, vector<16xi32>,
      %add3A_568 = arith.constant 16 : i32
      %add3A_569 = vector.broadcast %add3A_568 : i32 to vector<16xi32>
      %add3A_570 = arith.addi %add3A_561, %add3A_569 : vector<16xi32>
      %mul3A_571 = arith.constant 32 : i32
      %mul3A_572 = arith.muli %add3A_557, %mul3A_571 : i32
      %add3A_573 = arith.constant 16 : i32
      %add3A_574 = arith.addi %mul3A_572, %add3A_573 : i32
      %swap3A_575 = arith.index_cast %add3A_574 : i32 to index
      %swap3A_576 = tpu.vector_load %arg6[%swap3A_575] {strides = array<i32>} : memref<16384xi32, #tpu.memory_space<vmem>>, vector<16xi32>,
      %swap3A_577 = vector.shape_cast %swap3A_576 : vector<16xi32> to vector<16xi32>
      %swap3A_578 = vector.shape_cast %add3A_570 : vector<16xi32> to vector<16xi32>
      tpu.vector_store %arg6[%swap3A_575], %swap3A_578 {strides = array<i32>} : memref<16384xi32, #tpu.memory_space<vmem>>, vector<16xi32>,
      %mul3A_579 = arith.constant 16 : i32
      %mul3A_580 = arith.muli %scan3A_200, %mul3A_579 : i32
      %add3A_581 = arith.constant 15 : i32
      %add3A_582 = arith.addi %mul3A_580, %add3A_581 : i32
      %slice3A_583 = vector.extract_strided_slice %mul3A_207 {offsets = [15], sizes = [1], strides = [1]} : vector<16xi32> to vector<1xi32>
      %squeeze3A_584 = vector.extract %slice3A_583[0] : i32 from vector<1xi32>
      %broadcast_in_dim3A_585 = vector.broadcast %squeeze3A_584 : i32 to vector<16xi32>
      %add3A_586 = arith.addi %broadcast_in_dim3A_585, %iota3A : vector<16xi32>
      %mul3A_587 = arith.constant 32 : i32
      %mul3A_588 = arith.muli %add3A_582, %mul3A_587 : i32
      %swap3A_589 = arith.index_cast %mul3A_588 : i32 to index
      %swap3A_590 = tpu.vector_load %arg6[%swap3A_589] {strides = array<i32>} : memref<16384xi32, #tpu.memory_space<vmem>>, vector<16xi32>,
      %swap3A_591 = vector.shape_cast %swap3A_590 : vector<16xi32> to vector<16xi32>
      %swap3A_592 = vector.shape_cast %add3A_586 : vector<16xi32> to vector<16xi32>
      tpu.vector_store %arg6[%swap3A_589], %swap3A_592 {strides = array<i32>} : memref<16384xi32, #tpu.memory_space<vmem>>, vector<16xi32>,
      %add3A_593 = arith.constant 16 : i32
      %add3A_594 = vector.broadcast %add3A_593 : i32 to vector<16xi32>
      %add3A_595 = arith.addi %add3A_586, %add3A_594 : vector<16xi32>
      %mul3A_596 = arith.constant 32 : i32
      %mul3A_597 = arith.muli %add3A_582, %mul3A_596 : i32
      %add3A_598 = arith.constant 16 : i32
      %add3A_599 = arith.addi %mul3A_597, %add3A_598 : i32
      %swap3A_600 = arith.index_cast %add3A_599 : i32 to index
      %swap3A_601 = tpu.vector_load %arg6[%swap3A_600] {strides = array<i32>} : memref<16384xi32, #tpu.memory_space<vmem>>, vector<16xi32>,
      %swap3A_602 = vector.shape_cast %swap3A_601 : vector<16xi32> to vector<16xi32>
      %swap3A_603 = vector.shape_cast %add3A_595 : vector<16xi32> to vector<16xi32>
      tpu.vector_store %arg6[%swap3A_600], %swap3A_603 {strides = array<i32>} : memref<16384xi32, #tpu.memory_space<vmem>>, vector<16xi32>,
    }
    %scan3A_7 = arith.constant 32 : i32
    %dma_start3A = arith.constant 0 : i32
    %dma_start3A_8 = tpu.memref_slice %arg7[%dma_start3A] : memref<16384xf32, #tpu.memory_space<vmem>> -> memref<1024xf32, #tpu.memory_space<vmem>>
    %dma_start3A_9 = arith.constant 0 : i32
    %dma_start3A_10 = tpu.memref_slice %arg6[%dma_start3A_9] : memref<16384xi32, #tpu.memory_space<vmem>> -> memref<1024xi32, #tpu.memory_space<vmem>>
    %dma_start3A_11 = arith.constant 0 : i32
    %dma_start3A_12 = tpu.memref_slice %arg2[%dma_start3A_11] : memref<32000000xf32, #tpu.memory_space<hbm>> -> memref<32000000xf32, #tpu.memory_space<hbm>>
    tpu.enqueue_indirect_dma source(%dma_start3A_12 : memref<32000000xf32, #tpu.memory_space<hbm>>) target(%dma_start3A_8 : memref<1024xf32, #tpu.memory_space<vmem>>) offsets(%dma_start3A_10 : memref<1024xi32, #tpu.memory_space<vmem>>) semaphore(%arg8 : memref<!tpu.dma_semaphore, #tpu.memory_space<semaphore_mem>>)
    %dma_start3A_13 = arith.constant 1024 : i32
    %dma_start3A_14 = tpu.memref_slice %arg7[%dma_start3A_13] : memref<16384xf32, #tpu.memory_space<vmem>> -> memref<1024xf32, #tpu.memory_space<vmem>>
    %dma_start3A_15 = arith.constant 1024 : i32
    %dma_start3A_16 = tpu.memref_slice %arg6[%dma_start3A_15] : memref<16384xi32, #tpu.memory_space<vmem>> -> memref<1024xi32, #tpu.memory_space<vmem>>
    %dma_start3A_17 = arith.constant 0 : i32
    %dma_start3A_18 = tpu.memref_slice %arg2[%dma_start3A_17] : memref<32000000xf32, #tpu.memory_space<hbm>> -> memref<32000000xf32, #tpu.memory_space<hbm>>
    tpu.enqueue_indirect_dma source(%dma_start3A_18 : memref<32000000xf32, #tpu.memory_space<hbm>>) target(%dma_start3A_14 : memref<1024xf32, #tpu.memory_space<vmem>>) offsets(%dma_start3A_16 : memref<1024xi32, #tpu.memory_space<vmem>>) semaphore(%arg8 : memref<!tpu.dma_semaphore, #tpu.memory_space<semaphore_mem>>)
    %dma_start3A_19 = arith.constant 2048 : i32
    %dma_start3A_20 = tpu.memref_slice %arg7[%dma_start3A_19] : memref<16384xf32, #tpu.memory_space<vmem>> -> memref<1024xf32, #tpu.memory_space<vmem>>
    %dma_start3A_21 = arith.constant 2048 : i32
    %dma_start3A_22 = tpu.memref_slice %arg6[%dma_start3A_21] : memref<16384xi32, #tpu.memory_space<vmem>> -> memref<1024xi32, #tpu.memory_space<vmem>>
    %dma_start3A_23 = arith.constant 0 : i32
    %dma_start3A_24 = tpu.memref_slice %arg2[%dma_start3A_23] : memref<32000000xf32, #tpu.memory_space<hbm>> -> memref<32000000xf32, #tpu.memory_space<hbm>>
    tpu.enqueue_indirect_dma source(%dma_start3A_24 : memref<32000000xf32, #tpu.memory_space<hbm>>) target(%dma_start3A_20 : memref<1024xf32, #tpu.memory_space<vmem>>) offsets(%dma_start3A_22 : memref<1024xi32, #tpu.memory_space<vmem>>) semaphore(%arg8 : memref<!tpu.dma_semaphore, #tpu.memory_space<semaphore_mem>>)
    %dma_start3A_25 = arith.constant 3072 : i32
    %dma_start3A_26 = tpu.memref_slice %arg7[%dma_start3A_25] : memref<16384xf32, #tpu.memory_space<vmem>> -> memref<1024xf32, #tpu.memory_space<vmem>>
    %dma_start3A_27 = arith.constant 3072 : i32
    %dma_start3A_28 = tpu.memref_slice %arg6[%dma_start3A_27] : memref<16384xi32, #tpu.memory_space<vmem>> -> memref<1024xi32, #tpu.memory_space<vmem>>
    %dma_start3A_29 = arith.constant 0 : i32
    %dma_start3A_30 = tpu.memref_slice %arg2[%dma_start3A_29] : memref<32000000xf32, #tpu.memory_space<hbm>> -> memref<32000000xf32, #tpu.memory_space<hbm>>
    tpu.enqueue_indirect_dma source(%dma_start3A_30 : memref<32000000xf32, #tpu.memory_space<hbm>>) target(%dma_start3A_26 : memref<1024xf32, #tpu.memory_space<vmem>>) offsets(%dma_start3A_28 : memref<1024xi32, #tpu.memory_space<vmem>>) semaphore(%arg8 : memref<!tpu.dma_semaphore, #tpu.memory_space<semaphore_mem>>)
    %dma_start3A_31 = arith.constant 4096 : i32
    %dma_start3A_32 = tpu.memref_slice %arg7[%dma_start3A_31] : memref<16384xf32, #tpu.memory_space<vmem>> -> memref<1024xf32, #tpu.memory_space<vmem>>
    %dma_start3A_33 = arith.constant 4096 : i32
    %dma_start3A_34 = tpu.memref_slice %arg6[%dma_start3A_33] : memref<16384xi32, #tpu.memory_space<vmem>> -> memref<1024xi32, #tpu.memory_space<vmem>>
    %dma_start3A_35 = arith.constant 0 : i32
    %dma_start3A_36 = tpu.memref_slice %arg2[%dma_start3A_35] : memref<32000000xf32, #tpu.memory_space<hbm>> -> memref<32000000xf32, #tpu.memory_space<hbm>>
    tpu.enqueue_indirect_dma source(%dma_start3A_36 : memref<32000000xf32, #tpu.memory_space<hbm>>) target(%dma_start3A_32 : memref<1024xf32, #tpu.memory_space<vmem>>) offsets(%dma_start3A_34 : memref<1024xi32, #tpu.memory_space<vmem>>) semaphore(%arg8 : memref<!tpu.dma_semaphore, #tpu.memory_space<semaphore_mem>>)
    %dma_start3A_37 = arith.constant 5120 : i32
    %dma_start3A_38 = tpu.memref_slice %arg7[%dma_start3A_37] : memref<16384xf32, #tpu.memory_space<vmem>> -> memref<1024xf32, #tpu.memory_space<vmem>>
    %dma_start3A_39 = arith.constant 5120 : i32
    %dma_start3A_40 = tpu.memref_slice %arg6[%dma_start3A_39] : memref<16384xi32, #tpu.memory_space<vmem>> -> memref<1024xi32, #tpu.memory_space<vmem>>
    %dma_start3A_41 = arith.constant 0 : i32
    %dma_start3A_42 = tpu.memref_slice %arg2[%dma_start3A_41] : memref<32000000xf32, #tpu.memory_space<hbm>> -> memref<32000000xf32, #tpu.memory_space<hbm>>
    tpu.enqueue_indirect_dma source(%dma_start3A_42 : memref<32000000xf32, #tpu.memory_space<hbm>>) target(%dma_start3A_38 : memref<1024xf32, #tpu.memory_space<vmem>>) offsets(%dma_start3A_40 : memref<1024xi32, #tpu.memory_space<vmem>>) semaphore(%arg8 : memref<!tpu.dma_semaphore, #tpu.memory_space<semaphore_mem>>)
    %dma_start3A_43 = arith.constant 6144 : i32
    %dma_start3A_44 = tpu.memref_slice %arg7[%dma_start3A_43] : memref<16384xf32, #tpu.memory_space<vmem>> -> memref<1024xf32, #tpu.memory_space<vmem>>
    %dma_start3A_45 = arith.constant 6144 : i32
    %dma_start3A_46 = tpu.memref_slice %arg6[%dma_start3A_45] : memref<16384xi32, #tpu.memory_space<vmem>> -> memref<1024xi32, #tpu.memory_space<vmem>>
    %dma_start3A_47 = arith.constant 0 : i32
    %dma_start3A_48 = tpu.memref_slice %arg2[%dma_start3A_47] : memref<32000000xf32, #tpu.memory_space<hbm>> -> memref<32000000xf32, #tpu.memory_space<hbm>>
    tpu.enqueue_indirect_dma source(%dma_start3A_48 : memref<32000000xf32, #tpu.memory_space<hbm>>) target(%dma_start3A_44 : memref<1024xf32, #tpu.memory_space<vmem>>) offsets(%dma_start3A_46 : memref<1024xi32, #tpu.memory_space<vmem>>) semaphore(%arg8 : memref<!tpu.dma_semaphore, #tpu.memory_space<semaphore_mem>>)
    %dma_start3A_49 = arith.constant 7168 : i32
    %dma_start3A_50 = tpu.memref_slice %arg7[%dma_start3A_49] : memref<16384xf32, #tpu.memory_space<vmem>> -> memref<1024xf32, #tpu.memory_space<vmem>>
    %dma_start3A_51 = arith.constant 7168 : i32
    %dma_start3A_52 = tpu.memref_slice %arg6[%dma_start3A_51] : memref<16384xi32, #tpu.memory_space<vmem>> -> memref<1024xi32, #tpu.memory_space<vmem>>
    %dma_start3A_53 = arith.constant 0 : i32
    %dma_start3A_54 = tpu.memref_slice %arg2[%dma_start3A_53] : memref<32000000xf32, #tpu.memory_space<hbm>> -> memref<32000000xf32, #tpu.memory_space<hbm>>
    tpu.enqueue_indirect_dma source(%dma_start3A_54 : memref<32000000xf32, #tpu.memory_space<hbm>>) target(%dma_start3A_50 : memref<1024xf32, #tpu.memory_space<vmem>>) offsets(%dma_start3A_52 : memref<1024xi32, #tpu.memory_space<vmem>>) semaphore(%arg8 : memref<!tpu.dma_semaphore, #tpu.memory_space<semaphore_mem>>)
    %dma_start3A_55 = arith.constant 8192 : i32
    %dma_start3A_56 = tpu.memref_slice %arg7[%dma_start3A_55] : memref<16384xf32, #tpu.memory_space<vmem>> -> memref<1024xf32, #tpu.memory_space<vmem>>
    %dma_start3A_57 = arith.constant 8192 : i32
    %dma_start3A_58 = tpu.memref_slice %arg6[%dma_start3A_57] : memref<16384xi32, #tpu.memory_space<vmem>> -> memref<1024xi32, #tpu.memory_space<vmem>>
    %dma_start3A_59 = arith.constant 0 : i32
    %dma_start3A_60 = tpu.memref_slice %arg2[%dma_start3A_59] : memref<32000000xf32, #tpu.memory_space<hbm>> -> memref<32000000xf32, #tpu.memory_space<hbm>>
    tpu.enqueue_indirect_dma source(%dma_start3A_60 : memref<32000000xf32, #tpu.memory_space<hbm>>) target(%dma_start3A_56 : memref<1024xf32, #tpu.memory_space<vmem>>) offsets(%dma_start3A_58 : memref<1024xi32, #tpu.memory_space<vmem>>) semaphore(%arg8 : memref<!tpu.dma_semaphore, #tpu.memory_space<semaphore_mem>>)
    %dma_start3A_61 = arith.constant 9216 : i32
    %dma_start3A_62 = tpu.memref_slice %arg7[%dma_start3A_61] : memref<16384xf32, #tpu.memory_space<vmem>> -> memref<1024xf32, #tpu.memory_space<vmem>>
    %dma_start3A_63 = arith.constant 9216 : i32
    %dma_start3A_64 = tpu.memref_slice %arg6[%dma_start3A_63] : memref<16384xi32, #tpu.memory_space<vmem>> -> memref<1024xi32, #tpu.memory_space<vmem>>
    %dma_start3A_65 = arith.constant 0 : i32
    %dma_start3A_66 = tpu.memref_slice %arg2[%dma_start3A_65] : memref<32000000xf32, #tpu.memory_space<hbm>> -> memref<32000000xf32, #tpu.memory_space<hbm>>
    tpu.enqueue_indirect_dma source(%dma_start3A_66 : memref<32000000xf32, #tpu.memory_space<hbm>>) target(%dma_start3A_62 : memref<1024xf32, #tpu.memory_space<vmem>>) offsets(%dma_start3A_64 : memref<1024xi32, #tpu.memory_space<vmem>>) semaphore(%arg8 : memref<!tpu.dma_semaphore, #tpu.memory_space<semaphore_mem>>)
    %dma_start3A_67 = arith.constant 10240 : i32
    %dma_start3A_68 = tpu.memref_slice %arg7[%dma_start3A_67] : memref<16384xf32, #tpu.memory_space<vmem>> -> memref<1024xf32, #tpu.memory_space<vmem>>
    %dma_start3A_69 = arith.constant 10240 : i32
    %dma_start3A_70 = tpu.memref_slice %arg6[%dma_start3A_69] : memref<16384xi32, #tpu.memory_space<vmem>> -> memref<1024xi32, #tpu.memory_space<vmem>>
    %dma_start3A_71 = arith.constant 0 : i32
    %dma_start3A_72 = tpu.memref_slice %arg2[%dma_start3A_71] : memref<32000000xf32, #tpu.memory_space<hbm>> -> memref<32000000xf32, #tpu.memory_space<hbm>>
    tpu.enqueue_indirect_dma source(%dma_start3A_72 : memref<32000000xf32, #tpu.memory_space<hbm>>) target(%dma_start3A_68 : memref<1024xf32, #tpu.memory_space<vmem>>) offsets(%dma_start3A_70 : memref<1024xi32, #tpu.memory_space<vmem>>) semaphore(%arg8 : memref<!tpu.dma_semaphore, #tpu.memory_space<semaphore_mem>>)
    %dma_start3A_73 = arith.constant 11264 : i32
    %dma_start3A_74 = tpu.memref_slice %arg7[%dma_start3A_73] : memref<16384xf32, #tpu.memory_space<vmem>> -> memref<1024xf32, #tpu.memory_space<vmem>>
    %dma_start3A_75 = arith.constant 11264 : i32
    %dma_start3A_76 = tpu.memref_slice %arg6[%dma_start3A_75] : memref<16384xi32, #tpu.memory_space<vmem>> -> memref<1024xi32, #tpu.memory_space<vmem>>
    %dma_start3A_77 = arith.constant 0 : i32
    %dma_start3A_78 = tpu.memref_slice %arg2[%dma_start3A_77] : memref<32000000xf32, #tpu.memory_space<hbm>> -> memref<32000000xf32, #tpu.memory_space<hbm>>
    tpu.enqueue_indirect_dma source(%dma_start3A_78 : memref<32000000xf32, #tpu.memory_space<hbm>>) target(%dma_start3A_74 : memref<1024xf32, #tpu.memory_space<vmem>>) offsets(%dma_start3A_76 : memref<1024xi32, #tpu.memory_space<vmem>>) semaphore(%arg8 : memref<!tpu.dma_semaphore, #tpu.memory_space<semaphore_mem>>)
    %dma_start3A_79 = arith.constant 12288 : i32
    %dma_start3A_80 = tpu.memref_slice %arg7[%dma_start3A_79] : memref<16384xf32, #tpu.memory_space<vmem>> -> memref<1024xf32, #tpu.memory_space<vmem>>
    %dma_start3A_81 = arith.constant 12288 : i32
    %dma_start3A_82 = tpu.memref_slice %arg6[%dma_start3A_81] : memref<16384xi32, #tpu.memory_space<vmem>> -> memref<1024xi32, #tpu.memory_space<vmem>>
    %dma_start3A_83 = arith.constant 0 : i32
    %dma_start3A_84 = tpu.memref_slice %arg2[%dma_start3A_83] : memref<32000000xf32, #tpu.memory_space<hbm>> -> memref<32000000xf32, #tpu.memory_space<hbm>>
    tpu.enqueue_indirect_dma source(%dma_start3A_84 : memref<32000000xf32, #tpu.memory_space<hbm>>) target(%dma_start3A_80 : memref<1024xf32, #tpu.memory_space<vmem>>) offsets(%dma_start3A_82 : memref<1024xi32, #tpu.memory_space<vmem>>) semaphore(%arg8 : memref<!tpu.dma_semaphore, #tpu.memory_space<semaphore_mem>>)
    %dma_start3A_85 = arith.constant 13312 : i32
    %dma_start3A_86 = tpu.memref_slice %arg7[%dma_start3A_85] : memref<16384xf32, #tpu.memory_space<vmem>> -> memref<1024xf32, #tpu.memory_space<vmem>>
    %dma_start3A_87 = arith.constant 13312 : i32
    %dma_start3A_88 = tpu.memref_slice %arg6[%dma_start3A_87] : memref<16384xi32, #tpu.memory_space<vmem>> -> memref<1024xi32, #tpu.memory_space<vmem>>
    %dma_start3A_89 = arith.constant 0 : i32
    %dma_start3A_90 = tpu.memref_slice %arg2[%dma_start3A_89] : memref<32000000xf32, #tpu.memory_space<hbm>> -> memref<32000000xf32, #tpu.memory_space<hbm>>
    tpu.enqueue_indirect_dma source(%dma_start3A_90 : memref<32000000xf32, #tpu.memory_space<hbm>>) target(%dma_start3A_86 : memref<1024xf32, #tpu.memory_space<vmem>>) offsets(%dma_start3A_88 : memref<1024xi32, #tpu.memory_space<vmem>>) semaphore(%arg8 : memref<!tpu.dma_semaphore, #tpu.memory_space<semaphore_mem>>)
    %dma_start3A_91 = arith.constant 14336 : i32
    %dma_start3A_92 = tpu.memref_slice %arg7[%dma_start3A_91] : memref<16384xf32, #tpu.memory_space<vmem>> -> memref<1024xf32, #tpu.memory_space<vmem>>
    %dma_start3A_93 = arith.constant 14336 : i32
    %dma_start3A_94 = tpu.memref_slice %arg6[%dma_start3A_93] : memref<16384xi32, #tpu.memory_space<vmem>> -> memref<1024xi32, #tpu.memory_space<vmem>>
    %dma_start3A_95 = arith.constant 0 : i32
    %dma_start3A_96 = tpu.memref_slice %arg2[%dma_start3A_95] : memref<32000000xf32, #tpu.memory_space<hbm>> -> memref<32000000xf32, #tpu.memory_space<hbm>>
    tpu.enqueue_indirect_dma source(%dma_start3A_96 : memref<32000000xf32, #tpu.memory_space<hbm>>) target(%dma_start3A_92 : memref<1024xf32, #tpu.memory_space<vmem>>) offsets(%dma_start3A_94 : memref<1024xi32, #tpu.memory_space<vmem>>) semaphore(%arg8 : memref<!tpu.dma_semaphore, #tpu.memory_space<semaphore_mem>>)
    %dma_start3A_97 = arith.constant 15360 : i32
    %dma_start3A_98 = tpu.memref_slice %arg7[%dma_start3A_97] : memref<16384xf32, #tpu.memory_space<vmem>> -> memref<1024xf32, #tpu.memory_space<vmem>>
    %dma_start3A_99 = arith.constant 15360 : i32
    %dma_start3A_100 = tpu.memref_slice %arg6[%dma_start3A_99] : memref<16384xi32, #tpu.memory_space<vmem>> -> memref<1024xi32, #tpu.memory_space<vmem>>
    %dma_start3A_101 = arith.constant 0 : i32
    %dma_start3A_102 = tpu.memref_slice %arg2[%dma_start3A_101] : memref<32000000xf32, #tpu.memory_space<hbm>> -> memref<32000000xf32, #tpu.memory_space<hbm>>
    tpu.enqueue_indirect_dma source(%dma_start3A_102 : memref<32000000xf32, #tpu.memory_space<hbm>>) target(%dma_start3A_98 : memref<1024xf32, #tpu.memory_space<vmem>>) offsets(%dma_start3A_100 : memref<1024xi32, #tpu.memory_space<vmem>>) semaphore(%arg8 : memref<!tpu.dma_semaphore, #tpu.memory_space<semaphore_mem>>)
    %dma_wait3A = arith.constant 0 : i32
    %dma_wait3A_103 = tpu.memref_slice %arg7[%dma_wait3A] : memref<16384xf32, #tpu.memory_space<vmem>> -> memref<1024xf32, #tpu.memory_space<vmem>>
    %dma_wait3A_104 = arith.constant 0 : i32
    %dma_wait3A_105 = tpu.memref_slice %arg6[%dma_wait3A_104] : memref<16384xi32, #tpu.memory_space<vmem>> -> memref<1024xi32, #tpu.memory_space<vmem>>
    %dma_wait3A_106 = arith.constant 0 : i32
    %dma_wait3A_107 = tpu.memref_slice %arg2[%dma_wait3A_106] : memref<32000000xf32, #tpu.memory_space<hbm>> -> memref<32000000xf32, #tpu.memory_space<hbm>>
    tpu.wait_indirect_dma semaphore(%arg8 : memref<!tpu.dma_semaphore, #tpu.memory_space<semaphore_mem>>) src(%dma_wait3A_107 : memref<32000000xf32, #tpu.memory_space<hbm>>) dst(%dma_wait3A_103 : memref<1024xf32, #tpu.memory_space<vmem>>)
    %dma_wait3A_108 = arith.constant 1024 : i32
    %dma_wait3A_109 = tpu.memref_slice %arg7[%dma_wait3A_108] : memref<16384xf32, #tpu.memory_space<vmem>> -> memref<1024xf32, #tpu.memory_space<vmem>>
    %dma_wait3A_110 = arith.constant 1024 : i32
    %dma_wait3A_111 = tpu.memref_slice %arg6[%dma_wait3A_110] : memref<16384xi32, #tpu.memory_space<vmem>> -> memref<1024xi32, #tpu.memory_space<vmem>>
    %dma_wait3A_112 = arith.constant 0 : i32
    %dma_wait3A_113 = tpu.memref_slice %arg2[%dma_wait3A_112] : memref<32000000xf32, #tpu.memory_space<hbm>> -> memref<32000000xf32, #tpu.memory_space<hbm>>
    tpu.wait_indirect_dma semaphore(%arg8 : memref<!tpu.dma_semaphore, #tpu.memory_space<semaphore_mem>>) src(%dma_wait3A_113 : memref<32000000xf32, #tpu.memory_space<hbm>>) dst(%dma_wait3A_109 : memref<1024xf32, #tpu.memory_space<vmem>>)
    %dma_wait3A_114 = arith.constant 2048 : i32
    %dma_wait3A_115 = tpu.memref_slice %arg7[%dma_wait3A_114] : memref<16384xf32, #tpu.memory_space<vmem>> -> memref<1024xf32, #tpu.memory_space<vmem>>
    %dma_wait3A_116 = arith.constant 2048 : i32
    %dma_wait3A_117 = tpu.memref_slice %arg6[%dma_wait3A_116] : memref<16384xi32, #tpu.memory_space<vmem>> -> memref<1024xi32, #tpu.memory_space<vmem>>
    %dma_wait3A_118 = arith.constant 0 : i32
    %dma_wait3A_119 = tpu.memref_slice %arg2[%dma_wait3A_118] : memref<32000000xf32, #tpu.memory_space<hbm>> -> memref<32000000xf32, #tpu.memory_space<hbm>>
    tpu.wait_indirect_dma semaphore(%arg8 : memref<!tpu.dma_semaphore, #tpu.memory_space<semaphore_mem>>) src(%dma_wait3A_119 : memref<32000000xf32, #tpu.memory_space<hbm>>) dst(%dma_wait3A_115 : memref<1024xf32, #tpu.memory_space<vmem>>)
    %dma_wait3A_120 = arith.constant 3072 : i32
    %dma_wait3A_121 = tpu.memref_slice %arg7[%dma_wait3A_120] : memref<16384xf32, #tpu.memory_space<vmem>> -> memref<1024xf32, #tpu.memory_space<vmem>>
    %dma_wait3A_122 = arith.constant 3072 : i32
    %dma_wait3A_123 = tpu.memref_slice %arg6[%dma_wait3A_122] : memref<16384xi32, #tpu.memory_space<vmem>> -> memref<1024xi32, #tpu.memory_space<vmem>>
    %dma_wait3A_124 = arith.constant 0 : i32
    %dma_wait3A_125 = tpu.memref_slice %arg2[%dma_wait3A_124] : memref<32000000xf32, #tpu.memory_space<hbm>> -> memref<32000000xf32, #tpu.memory_space<hbm>>
    tpu.wait_indirect_dma semaphore(%arg8 : memref<!tpu.dma_semaphore, #tpu.memory_space<semaphore_mem>>) src(%dma_wait3A_125 : memref<32000000xf32, #tpu.memory_space<hbm>>) dst(%dma_wait3A_121 : memref<1024xf32, #tpu.memory_space<vmem>>)
    %dma_wait3A_126 = arith.constant 4096 : i32
    %dma_wait3A_127 = tpu.memref_slice %arg7[%dma_wait3A_126] : memref<16384xf32, #tpu.memory_space<vmem>> -> memref<1024xf32, #tpu.memory_space<vmem>>
    %dma_wait3A_128 = arith.constant 4096 : i32
    %dma_wait3A_129 = tpu.memref_slice %arg6[%dma_wait3A_128] : memref<16384xi32, #tpu.memory_space<vmem>> -> memref<1024xi32, #tpu.memory_space<vmem>>
    %dma_wait3A_130 = arith.constant 0 : i32
    %dma_wait3A_131 = tpu.memref_slice %arg2[%dma_wait3A_130] : memref<32000000xf32, #tpu.memory_space<hbm>> -> memref<32000000xf32, #tpu.memory_space<hbm>>
    tpu.wait_indirect_dma semaphore(%arg8 : memref<!tpu.dma_semaphore, #tpu.memory_space<semaphore_mem>>) src(%dma_wait3A_131 : memref<32000000xf32, #tpu.memory_space<hbm>>) dst(%dma_wait3A_127 : memref<1024xf32, #tpu.memory_space<vmem>>)
    %dma_wait3A_132 = arith.constant 5120 : i32
    %dma_wait3A_133 = tpu.memref_slice %arg7[%dma_wait3A_132] : memref<16384xf32, #tpu.memory_space<vmem>> -> memref<1024xf32, #tpu.memory_space<vmem>>
    %dma_wait3A_134 = arith.constant 5120 : i32
    %dma_wait3A_135 = tpu.memref_slice %arg6[%dma_wait3A_134] : memref<16384xi32, #tpu.memory_space<vmem>> -> memref<1024xi32, #tpu.memory_space<vmem>>
    %dma_wait3A_136 = arith.constant 0 : i32
    %dma_wait3A_137 = tpu.memref_slice %arg2[%dma_wait3A_136] : memref<32000000xf32, #tpu.memory_space<hbm>> -> memref<32000000xf32, #tpu.memory_space<hbm>>
    tpu.wait_indirect_dma semaphore(%arg8 : memref<!tpu.dma_semaphore, #tpu.memory_space<semaphore_mem>>) src(%dma_wait3A_137 : memref<32000000xf32, #tpu.memory_space<hbm>>) dst(%dma_wait3A_133 : memref<1024xf32, #tpu.memory_space<vmem>>)
    %dma_wait3A_138 = arith.constant 6144 : i32
    %dma_wait3A_139 = tpu.memref_slice %arg7[%dma_wait3A_138] : memref<16384xf32, #tpu.memory_space<vmem>> -> memref<1024xf32, #tpu.memory_space<vmem>>
    %dma_wait3A_140 = arith.constant 6144 : i32
    %dma_wait3A_141 = tpu.memref_slice %arg6[%dma_wait3A_140] : memref<16384xi32, #tpu.memory_space<vmem>> -> memref<1024xi32, #tpu.memory_space<vmem>>
    %dma_wait3A_142 = arith.constant 0 : i32
    %dma_wait3A_143 = tpu.memref_slice %arg2[%dma_wait3A_142] : memref<32000000xf32, #tpu.memory_space<hbm>> -> memref<32000000xf32, #tpu.memory_space<hbm>>
    tpu.wait_indirect_dma semaphore(%arg8 : memref<!tpu.dma_semaphore, #tpu.memory_space<semaphore_mem>>) src(%dma_wait3A_143 : memref<32000000xf32, #tpu.memory_space<hbm>>) dst(%dma_wait3A_139 : memref<1024xf32, #tpu.memory_space<vmem>>)
    %dma_wait3A_144 = arith.constant 7168 : i32
    %dma_wait3A_145 = tpu.memref_slice %arg7[%dma_wait3A_144] : memref<16384xf32, #tpu.memory_space<vmem>> -> memref<1024xf32, #tpu.memory_space<vmem>>
    %dma_wait3A_146 = arith.constant 7168 : i32
    %dma_wait3A_147 = tpu.memref_slice %arg6[%dma_wait3A_146] : memref<16384xi32, #tpu.memory_space<vmem>> -> memref<1024xi32, #tpu.memory_space<vmem>>
    %dma_wait3A_148 = arith.constant 0 : i32
    %dma_wait3A_149 = tpu.memref_slice %arg2[%dma_wait3A_148] : memref<32000000xf32, #tpu.memory_space<hbm>> -> memref<32000000xf32, #tpu.memory_space<hbm>>
    tpu.wait_indirect_dma semaphore(%arg8 : memref<!tpu.dma_semaphore, #tpu.memory_space<semaphore_mem>>) src(%dma_wait3A_149 : memref<32000000xf32, #tpu.memory_space<hbm>>) dst(%dma_wait3A_145 : memref<1024xf32, #tpu.memory_space<vmem>>)
    %dma_wait3A_150 = arith.constant 8192 : i32
    %dma_wait3A_151 = tpu.memref_slice %arg7[%dma_wait3A_150] : memref<16384xf32, #tpu.memory_space<vmem>> -> memref<1024xf32, #tpu.memory_space<vmem>>
    %dma_wait3A_152 = arith.constant 8192 : i32
    %dma_wait3A_153 = tpu.memref_slice %arg6[%dma_wait3A_152] : memref<16384xi32, #tpu.memory_space<vmem>> -> memref<1024xi32, #tpu.memory_space<vmem>>
    %dma_wait3A_154 = arith.constant 0 : i32
    %dma_wait3A_155 = tpu.memref_slice %arg2[%dma_wait3A_154] : memref<32000000xf32, #tpu.memory_space<hbm>> -> memref<32000000xf32, #tpu.memory_space<hbm>>
    tpu.wait_indirect_dma semaphore(%arg8 : memref<!tpu.dma_semaphore, #tpu.memory_space<semaphore_mem>>) src(%dma_wait3A_155 : memref<32000000xf32, #tpu.memory_space<hbm>>) dst(%dma_wait3A_151 : memref<1024xf32, #tpu.memory_space<vmem>>)
    %dma_wait3A_156 = arith.constant 9216 : i32
    %dma_wait3A_157 = tpu.memref_slice %arg7[%dma_wait3A_156] : memref<16384xf32, #tpu.memory_space<vmem>> -> memref<1024xf32, #tpu.memory_space<vmem>>
    %dma_wait3A_158 = arith.constant 9216 : i32
    %dma_wait3A_159 = tpu.memref_slice %arg6[%dma_wait3A_158] : memref<16384xi32, #tpu.memory_space<vmem>> -> memref<1024xi32, #tpu.memory_space<vmem>>
    %dma_wait3A_160 = arith.constant 0 : i32
    %dma_wait3A_161 = tpu.memref_slice %arg2[%dma_wait3A_160] : memref<32000000xf32, #tpu.memory_space<hbm>> -> memref<32000000xf32, #tpu.memory_space<hbm>>
    tpu.wait_indirect_dma semaphore(%arg8 : memref<!tpu.dma_semaphore, #tpu.memory_space<semaphore_mem>>) src(%dma_wait3A_161 : memref<32000000xf32, #tpu.memory_space<hbm>>) dst(%dma_wait3A_157 : memref<1024xf32, #tpu.memory_space<vmem>>)
    %dma_wait3A_162 = arith.constant 10240 : i32
    %dma_wait3A_163 = tpu.memref_slice %arg7[%dma_wait3A_162] : memref<16384xf32, #tpu.memory_space<vmem>> -> memref<1024xf32, #tpu.memory_space<vmem>>
    %dma_wait3A_164 = arith.constant 10240 : i32
    %dma_wait3A_165 = tpu.memref_slice %arg6[%dma_wait3A_164] : memref<16384xi32, #tpu.memory_space<vmem>> -> memref<1024xi32, #tpu.memory_space<vmem>>
    %dma_wait3A_166 = arith.constant 0 : i32
    %dma_wait3A_167 = tpu.memref_slice %arg2[%dma_wait3A_166] : memref<32000000xf32, #tpu.memory_space<hbm>> -> memref<32000000xf32, #tpu.memory_space<hbm>>
    tpu.wait_indirect_dma semaphore(%arg8 : memref<!tpu.dma_semaphore, #tpu.memory_space<semaphore_mem>>) src(%dma_wait3A_167 : memref<32000000xf32, #tpu.memory_space<hbm>>) dst(%dma_wait3A_163 : memref<1024xf32, #tpu.memory_space<vmem>>)
    %dma_wait3A_168 = arith.constant 11264 : i32
    %dma_wait3A_169 = tpu.memref_slice %arg7[%dma_wait3A_168] : memref<16384xf32, #tpu.memory_space<vmem>> -> memref<1024xf32, #tpu.memory_space<vmem>>
    %dma_wait3A_170 = arith.constant 11264 : i32
    %dma_wait3A_171 = tpu.memref_slice %arg6[%dma_wait3A_170] : memref<16384xi32, #tpu.memory_space<vmem>> -> memref<1024xi32, #tpu.memory_space<vmem>>
    %dma_wait3A_172 = arith.constant 0 : i32
    %dma_wait3A_173 = tpu.memref_slice %arg2[%dma_wait3A_172] : memref<32000000xf32, #tpu.memory_space<hbm>> -> memref<32000000xf32, #tpu.memory_space<hbm>>
    tpu.wait_indirect_dma semaphore(%arg8 : memref<!tpu.dma_semaphore, #tpu.memory_space<semaphore_mem>>) src(%dma_wait3A_173 : memref<32000000xf32, #tpu.memory_space<hbm>>) dst(%dma_wait3A_169 : memref<1024xf32, #tpu.memory_space<vmem>>)
    %dma_wait3A_174 = arith.constant 12288 : i32
    %dma_wait3A_175 = tpu.memref_slice %arg7[%dma_wait3A_174] : memref<16384xf32, #tpu.memory_space<vmem>> -> memref<1024xf32, #tpu.memory_space<vmem>>
    %dma_wait3A_176 = arith.constant 12288 : i32
    %dma_wait3A_177 = tpu.memref_slice %arg6[%dma_wait3A_176] : memref<16384xi32, #tpu.memory_space<vmem>> -> memref<1024xi32, #tpu.memory_space<vmem>>
    %dma_wait3A_178 = arith.constant 0 : i32
    %dma_wait3A_179 = tpu.memref_slice %arg2[%dma_wait3A_178] : memref<32000000xf32, #tpu.memory_space<hbm>> -> memref<32000000xf32, #tpu.memory_space<hbm>>
    tpu.wait_indirect_dma semaphore(%arg8 : memref<!tpu.dma_semaphore, #tpu.memory_space<semaphore_mem>>) src(%dma_wait3A_179 : memref<32000000xf32, #tpu.memory_space<hbm>>) dst(%dma_wait3A_175 : memref<1024xf32, #tpu.memory_space<vmem>>)
    %dma_wait3A_180 = arith.constant 13312 : i32
    %dma_wait3A_181 = tpu.memref_slice %arg7[%dma_wait3A_180] : memref<16384xf32, #tpu.memory_space<vmem>> -> memref<1024xf32, #tpu.memory_space<vmem>>
    %dma_wait3A_182 = arith.constant 13312 : i32
    %dma_wait3A_183 = tpu.memref_slice %arg6[%dma_wait3A_182] : memref<16384xi32, #tpu.memory_space<vmem>> -> memref<1024xi32, #tpu.memory_space<vmem>>
    %dma_wait3A_184 = arith.constant 0 : i32
    %dma_wait3A_185 = tpu.memref_slice %arg2[%dma_wait3A_184] : memref<32000000xf32, #tpu.memory_space<hbm>> -> memref<32000000xf32, #tpu.memory_space<hbm>>
    tpu.wait_indirect_dma semaphore(%arg8 : memref<!tpu.dma_semaphore, #tpu.memory_space<semaphore_mem>>) src(%dma_wait3A_185 : memref<32000000xf32, #tpu.memory_space<hbm>>) dst(%dma_wait3A_181 : memref<1024xf32, #tpu.memory_space<vmem>>)
    %dma_wait3A_186 = arith.constant 14336 : i32
    %dma_wait3A_187 = tpu.memref_slice %arg7[%dma_wait3A_186] : memref<16384xf32, #tpu.memory_space<vmem>> -> memref<1024xf32, #tpu.memory_space<vmem>>
    %dma_wait3A_188 = arith.constant 14336 : i32
    %dma_wait3A_189 = tpu.memref_slice %arg6[%dma_wait3A_188] : memref<16384xi32, #tpu.memory_space<vmem>> -> memref<1024xi32, #tpu.memory_space<vmem>>
    %dma_wait3A_190 = arith.constant 0 : i32
    %dma_wait3A_191 = tpu.memref_slice %arg2[%dma_wait3A_190] : memref<32000000xf32, #tpu.memory_space<hbm>> -> memref<32000000xf32, #tpu.memory_space<hbm>>
    tpu.wait_indirect_dma semaphore(%arg8 : memref<!tpu.dma_semaphore, #tpu.memory_space<semaphore_mem>>) src(%dma_wait3A_191 : memref<32000000xf32, #tpu.memory_space<hbm>>) dst(%dma_wait3A_187 : memref<1024xf32, #tpu.memory_space<vmem>>)
    %dma_wait3A_192 = arith.constant 15360 : i32
    %dma_wait3A_193 = tpu.memref_slice %arg7[%dma_wait3A_192] : memref<16384xf32, #tpu.memory_space<vmem>> -> memref<1024xf32, #tpu.memory_space<vmem>>
    %dma_wait3A_194 = arith.constant 15360 : i32
    %dma_wait3A_195 = tpu.memref_slice %arg6[%dma_wait3A_194] : memref<16384xi32, #tpu.memory_space<vmem>> -> memref<1024xi32, #tpu.memory_space<vmem>>
    %dma_wait3A_196 = arith.constant 0 : i32
    %dma_wait3A_197 = tpu.memref_slice %arg2[%dma_wait3A_196] : memref<32000000xf32, #tpu.memory_space<hbm>> -> memref<32000000xf32, #tpu.memory_space<hbm>>
    tpu.wait_indirect_dma semaphore(%arg8 : memref<!tpu.dma_semaphore, #tpu.memory_space<semaphore_mem>>) src(%dma_wait3A_197 : memref<32000000xf32, #tpu.memory_space<hbm>>) dst(%dma_wait3A_193 : memref<1024xf32, #tpu.memory_space<vmem>>)
    %mul3A_198 = arith.constant 32 : i32
    %mul3A_199 = arith.muli %mul3A_2, %mul3A_198 : i32
    "tpu.region"() ({
      %run_scoped3A = tpu.sem_alloc : memref<!tpu.dma_semaphore, #tpu.memory_space<semaphore_mem>>
      %dma_start3A_200 = tpu.memref_slice %arg4[%mul3A_199] : memref<524288xf32, #tpu.memory_space<hbm>> -> memref<16384xf32, #tpu.memory_space<hbm>>
      %dma_start3A_201 = tpu.memref_slice %arg4[%mul3A_199] : memref<524288xf32, #tpu.memory_space<hbm>> -> memref<16384xf32, #tpu.memory_space<hbm>>
      tpu.enqueue_dma source(%arg7 : memref<16384xf32, #tpu.memory_space<vmem>>) target(%dma_start3A_201 : memref<16384xf32, #tpu.memory_space<hbm>>) target_semaphore(%run_scoped3A : memref<!tpu.dma_semaphore, #tpu.memory_space<semaphore_mem>>)
      %dma_wait3A_202 = tpu.memref_slice %arg4[%mul3A_199] : memref<524288xf32, #tpu.memory_space<hbm>> -> memref<16384xf32, #tpu.memory_space<hbm>>
      %dma_wait3A_203 = tpu.memref_slice %arg4[%mul3A_199] : memref<524288xf32, #tpu.memory_space<hbm>> -> memref<16384xf32, #tpu.memory_space<hbm>>
      tpu.wait_dma2 semaphore(%run_scoped3A : memref<!tpu.dma_semaphore, #tpu.memory_space<semaphore_mem>>) src(%arg7 : memref<16384xf32, #tpu.memory_space<vmem>>) dst(%dma_wait3A_203 : memref<16384xf32, #tpu.memory_space<hbm>>)
      tpu.yield
    }) : () -> ()
    return
  }
}

</mosaic_0001>

<sc_bundles>
// kernel: _lookup.3.cloned.1.call-start
scs
__scs_entry_jumppad:
0x0: {  	(pc) =	sbr.rel $0x88, $3  }
0x1: {  	(tag) =	ssettag $0x0;
	lr =	simm.s32 $0x1  }
0x2: {  	[smem:$0x3F9F] =	sst lr;
	_ =	strace $0xD0000000  }
0x3: {  	_ = 	snop  }
0x4: {  	_ = 	snop  }
0x5: {  	_ = 	snop  }
0x6: {  	_ = 	snop  }
0x7: {  	_ = 	snop  }
__scs_overlays_trampoline_lowered:
0x8: {  	[smem:$0x3FAE] =	sst s0  }
0x9: {  	[smem:$0x3FAF] =	sst s1  }
0xa: {  	[smem:$0x3FB0] =	sst s2  }
0xb: {  	[smem:$0x3FB1] =	sst s3  }
0xc: {  	[smem:$0x3FB2] =	sst s4  }
0xd: {  	[smem:$0x3FB3] =	sst s5  }
0xe: {  	[smem:$0x3FB4] =	sst s6  }
0xf: {  	[smem:$0x3FB5] =	sst s7  }
0x10: {  	[smem:$0x3FB6] =	sst s8  }
0x11: {  	[smem:$0x3FB7] =	sst s9;
	s0 =	simm.s32 @!p0 $0x0  }
0x12: {  	s1 =	sld [smem:$0x3F9D];
	s0 =	simm.s32 @p0 $0x1  }
0x13: {  	[smem:$0x3FB8] =	sst s0;
	s0 =	simm.s32 @!p1 $0x0  }
0x14: {  	s2 =	sld [smem:$0x3F9C];
	s0 =	simm.s32 @p1 $0x1  }
0x15: {  	[smem:$0x3FB9] =	sst s0;
	s0 =	simm.s32 @!p2 $0x0  }
0x16: {  	s3 =	sld [smem:$0x3FDB];
	s0 =	simm.s32 @p2 $0x1  }
0x17: {  	s4 =	simm.s32 $0x1BF5;
	[smem:$0x3FBB] =	sst s0  }
0x18: {  	s0 =	sld [smem:$0x3F9E];
	_ =	swait.ge [sflag:s4], $0x0  }
0x19: {  	s7 =	sld [smem:$0x3F9F]  }
0x1a: {  	s8 =	sadd.s32 $0xFFFFE003, lr  }
0x1b: {  	s9 =	sadd.s32 $0xFFFFFEF7, lr;
	s5 =	simm.s32 $0xFFFFFFFF;
	p2 =	slt.u32 s8, $0xFFFFF086  }
0x1c: {  	p1 =	slt.u32 s9, $0xF7A;
	s5 =	simm.s32 @!p2 $0x0  }
0x1d: {  	s5 =	simm.s32 @p1 $0x1;
	p0 =	seq.s32 s7, s2  }
0x1e: {  	s7 =	smul.u32 @!p0 $0xF7A, s2;
	p2 =	seq.s32 @!p0 s5, $0x0  }
0x1f: {  	s9 =	smul.u32 $0xF7A, s1;
	s8 =	simm.s32 @!p0 $0x1BF5;
	p2 =	por !p2, p0  }
0x20: {  	[sflag:s8] =	ssyncset.s32 @!p0 $0xFFFFF086;
	s6 =	sadd.s32 @!p0 s3, s7;
	s7 =	simm.s32 @!p0 $0x108  }
0x21: {  	s3 =	sadd.s32 s3, s9;
	s6 =	sadd.s32 @!p0 $0x88, s6;
	s7 =	simm.s32 @p2 $0x1082  }
0x22: {  	[simem:s7], [sflag:s8] =	dma.local @!p0 [hbm:s6], $0xF7A  }
0x23: {  	s9 =	sor.u32 $0xD0000000, s2;
	s6 =	simm.s32 $0x108;
	_ =	swait.ge @!p0 [sflag:s8], $0x0  }
0x24: {  	s3 =	sadd.s32 $0x88, s3;
	s6 =	simm.s32 @!p1 $0x1082;
	[sflag:s4] =	ssyncset.s32 $0xFFFFF086  }
0x25: {  	[simem:s6], [sflag:s4] =	dma.local [hbm:s3], $0xF7A  }
0x26: {  	[smem:$0x3F9F] =	sst s1;
	(tag) =	ssettag s2;
	_ =	strace s9  }
0x27: {  	s1 =	sld [smem:$0x3FAF]  }
0x28: {  	s2 =	sld [smem:$0x3FB0]  }
0x29: {  	s4 =	sld [smem:$0x3FB2]  }
0x2a: {  	p0 =	seq.s32 s5, $0x0;
	s5 =	sld [smem:$0x3FB3]  }
0x2b: {  	s6 =	sld [smem:$0x3FB4]  }
0x2c: {  	s7 =	sld [smem:$0x3FB5]  }
0x2d: {  	s3 =	simm.s32 $0x108;
	s8 =	sld [smem:$0x3FB6]  }
0x2e: {  	s3 =	simm.s32 @!p0 $0x1082;
	s9 =	sld [smem:$0x3FB7]  }
0x2f: {  	lr =	sadd.s32 s0, s3;
	s0 =	sld [smem:$0x3FAE]  }
0x30: {  	s3 =	sld [smem:$0x3FB1]  }
0x31: {  	[smem:$0x3FBA] =	sst s10  }
0x32: {  	s10 =	sld [smem:$0x3FB8];
	_ =	sdelay $0x3  }
0x33: {  	p0 =	seq.s32 s10, $0x1;
	s10 =	sld [smem:$0x3FBA];
	_ =	sdelay $0x3  }
0x34: {  	[smem:$0x3FBA] =	sst s10  }
0x35: {  	s10 =	sld [smem:$0x3FB9];
	_ =	sdelay $0x3  }
0x36: {  	p1 =	seq.s32 s10, $0x1;
	s10 =	sld [smem:$0x3FBA];
	_ =	sdelay $0x3  }
0x37: {  	[smem:$0x3FBA] =	sst s10  }
0x38: {  	s10 =	sld [smem:$0x3FBB]  }
0x39: {  	_ = 	snop;
	(pc) =	sbr.ind lr, $3  }
0x3a: {  	_ = 	snop  }
0x3b: {  	_ = 	snop  }
0x3c: {  	p2 =	seq.s32 s10, $0x1;
	s10 =	sld [smem:$0x3FBA]  }
0x3d: {  	_ =	shalt  }
0x3e: {  	_ =	shalt  }
0x3f: {  	_ =	shalt  }
0x40: {  	_ =	shalt  }
0x41: {  	_ =	shalt  }
0x42: {  	_ =	shalt  }
0x43: {  	_ =	shalt  }
0x44: {  	_ =	shalt  }
0x45: {  	_ =	shalt  }
0x46: {  	_ =	shalt  }
0x47: {  	_ =	shalt  }
0x48: {  	_ =	shalt  }
0x49: {  	_ =	shalt  }
0x4a: {  	_ =	shalt  }
0x4b: {  	_ =	shalt  }
0x4c: {  	_ =	shalt  }
0x4d: {  	_ =	shalt  }
0x4e: {  	_ =	shalt  }
0x4f: {  	_ =	shalt  }
0x50: {  	_ =	shalt  }
0x51: {  	_ =	shalt  }
0x52: {  	_ =	shalt  }
0x53: {  	_ =	shalt  }
0x54: {  	_ =	shalt  }
0x55: {  	_ =	shalt  }
0x56: {  	_ =	shalt  }
0x57: {  	_ =	shalt  }
0x58: {  	_ =	shalt  }
0x59: {  	_ =	shalt  }
0x5a: {  	_ =	shalt  }
0x5b: {  	_ =	shalt  }
0x5c: {  	_ =	shalt  }
0x5d: {  	_ =	shalt  }
0x5e: {  	_ =	shalt  }
0x5f: {  	_ =	shalt  }
0x60: {  	_ =	shalt  }
0x61: {  	_ =	shalt  }
0x62: {  	_ =	shalt  }
0x63: {  	_ =	shalt  }
0x64: {  	_ =	shalt  }
0x65: {  	_ =	shalt  }
0x66: {  	_ =	shalt  }
0x67: {  	_ =	shalt  }
0x68: {  	_ =	shalt  }
0x69: {  	_ =	shalt  }
0x6a: {  	_ =	shalt  }
0x6b: {  	_ =	shalt  }
0x6c: {  	_ =	shalt  }
0x6d: {  	_ =	shalt  }
0x6e: {  	_ =	shalt  }
0x6f: {  	_ =	shalt  }
0x70: {  	_ =	shalt  }
0x71: {  	_ =	shalt  }
0x72: {  	_ =	shalt  }
0x73: {  	_ =	shalt  }
0x74: {  	_ =	shalt  }
0x75: {  	_ =	shalt  }
0x76: {  	_ =	shalt  }
0x77: {  	_ =	shalt  }
0x78: {  	_ =	shalt  }
0x79: {  	_ =	shalt  }
0x7a: {  	_ =	shalt  }
0x7b: {  	_ =	shalt  }
0x7c: {  	_ =	shalt  }
0x7d: {  	_ =	shalt  }
0x7e: {  	_ =	shalt  }
0x7f: {  	_ =	shalt  }
0x80: {  	_ =	shalt  }
0x81: {  	_ =	shalt  }
0x82: {  	_ =	shalt  }
0x83: {  	_ =	shalt  }
0x84: {  	_ =	shalt  }
0x85: {  	_ =	shalt  }
0x86: {  	_ =	shalt  }
0x87: {  	_ =	shalt  }
.Lfunc_end0:
.L_simem_size_0:
called_computation_lowered:
.L_overlay_start_0:
0x88: {  	s2 =	sld [smem:$0x3FD9]  }
0x89: {  	s3 =	sld [smem:$0x3FFE];
	_ =	sdelay $0x1  }
0x8a: {  	s1 =	srdreg.scid  }
0x8b: {  	s0 =	sand.u32 $0x1, s1  }
0x8c: {  	s18 =	sshll.u32 s0, $0xA;
	s2 =	sadd.s32 s3, s2  }
0x8d: {  	s2 =	sadd.s32 s2, s18  }
0x8e: {  	[smem:$0x3FC6] =	sst s2  }
0x8f: {  	_ = 	snop  }
0x90: {  	s2 =	sld [smem:$0x3FC9]  }
0x91: {  	s19 =	sld [smem:$0x3FC8]  }
0x92: {  	s4 =	sld [smem:$0x3FD0];
	(tm) =	ssettm $0x1  }
0x93: {  	s5 =	sld [smem:$0x3FFB];
	_ =	sdelay $0x3  }
0x94: {  	_ =	strace s5  }
0x95: {  	s5 =	sld [smem:$0x3FFC];
	_ =	sdelay $0x3  }
0x96: {  	_ =	strace s5  }
0x97: {  	s5 =	sld [smem:$0x3FFD];
	_ =	sdelay $0x3  }
0x98: {  	_ =	strace s5  }
0x99: {  	_ =	strace $0x8FFFFFFF  }
0x9a: {  	s20 =	sld [smem:$0x3FDB];
	_ =	sdelay $0x1  }
0x9b: {  	s6 =	simm.s32 $_scs_section_size  }
0x9c: {  	s7 =	simm.s32 $_size__tile_overlayer_lowered;
	s8 =	simm.s32 $_tile_overlayer_lowered  }
0x9d: {  	s23 =	simm.s32 $0x1BFF;
	s22 =	sshll.u32 s8, $0x1;
	s5 =	sadd.s32 s6, s20  }
0x9e: {  	s9 =	simm.s32 $0x0;
	s21 =	sshll.u32 s7, $0x1;
	s7 =	sadd.s32 s22, s5  }
0x9f: {  	[timem:s9], [sflag:s23] =	dma.local [hbm:s7], s21  }
0xa0: {  	_ =	swait.ge [sflag:s23], s21  }
0xa1: {  	s6 =	ssub.s32 $0x0, s21;
	[sflag:s23] =	ssyncset.done $0x0  }
0xa2: {  	[sflag:s23] =	ssyncadd.s32 s6;
	_ =	sdelay $0x1  }
0xa3: {  	s24 =	simm.s32 $0x1B8B  }
0xa4: {  	_ =	swait.ge [sflag:s24], $0x1  }
0xa5: {  	[sflag:s24] =	ssyncset.done $0x0  }
0xa6: {  	s25 =	simm.s32 $0x1B8E;
	[sflag:s24] =	ssyncadd.s32 $0xFFFFFFFF  }
0xa7: {  	s26 =	simm.s32 $execute0_lowered;
	[smem:$0x3FD2] =	sst s25  }
0xa8: {  	s6 =	sshll.u32 s26, $0x1;
	_ =	strace $0x80000046;
	[dreg:$0x1] =	wrdreg $0xFFFFFFFF  }
0xa9: {  	s28 =	simm.s32 $_size_execute0_lowered;
	s5 =	sadd.s32 s5, s6;
	[dreg:$0x0] =	wrdreg $0x0  }
0xaa: {  	s6 =	sshll.u32 s28, $0x1;
	[dreg:$0x2] =	wrdreg s5  }
0xab: {  	[dreg:$0x3] =	wrdreg s6  }
0xac: {  	[dreg:$0x4] =	wrdreg $0xC0  }
0xad: {  	_ =	task [dreg:s9], $0x5FFFF  }
0xae: {  	[dreg:$0x1] =	wrdreg $0xFFFFFFFF  }
0xaf: {  	[dreg:$0x0] =	wrdreg $0x60  }
0xb0: {  	[dreg:$0x2] =	wrdreg s2  }
0xb1: {  	[dreg:$0x3] =	wrdreg s19  }
0xb2: {  	[dreg:$0x4] =	wrdreg s4  }
0xb3: {  	[dreg:$0x5] =	wrdreg $0x9  }
0xb4: {  	_ =	task.clear_ibuf [dreg:s9], $0x6FFFF;
	_ =	strace $0x90000046  }
0xb5: {  	s29 =	simm.s32 $0x9;
	_ =	strace $0x80000048  }
0xb6: {  	_ =	swait.ge [sflag:s29], $0x1  }
0xb7: {  	[sflag:s29] =	ssyncadd.s32 $0xFFFFFFFF  }
0xb8: {  	_ =	strace $0x90000048  }
0xb9: {  	_ =	sfence  }
0xba: {  	s30 =	sld [smem:$0x0];
	_ =	sdelay $0x2  }
0xbb: {  	s31 =	sshll.u32 s1, $0xD;
	s1 =	sshrl.u32 s1, $0x2  }
0xbc: {  	s3 =	sand.u32 $0x4000, s31;
	s1 =	sadd.s32 s1, s30  }
0xbd: {  	s0 =	sor.u32 s3, s0;
	s1 =	sshll.u32 s1, $0x11  }
0xbe: {  	s0 =	sor.u32 s1, s0  }
0xbf: {  	s0 =	sadd.s32 $0x8F2B, s0  }
0xc0: {  	[sflag:s0] =	ssyncadd.remote.s32 $0x1  }
0xc1: {  	_ =	sfence.sel $0xFFFF  }
0xc2: {  	[dreg:$0x0] =	wrdreg $0xFFFFFFFF;
	(pc) =	sbr.abs _section_cstart, $3  }
0xc3: {  	[dreg:$0x1] =	wrdreg $0xFFFFFFFF  }
0xc4: {  	_ =	task.clear_ibuf [dreg:s9], $0x2FFFF;
	_ =	strace $0x9FFFFFFF  }
0xc5: {  	(tm) =	ssettm $0x7FFFFFFF  }
tec
execute0_lowered:
.L_overlay_start_1:
0x0: {  	(tag) =	ssettag $0x1  }
0x1: {  	s1 =	rddreg [dreg:$0x0]  }
0x2: {  	s0 =	rddreg [dreg:$0x1]  }
0x3: {  	s2 =	rddreg [dreg:$0x2]  }
0x4: {  	s4 =	srdreg.scid;
	s3 =	simm.s32 $0x0;
	s6 =	stileid.u32  }
0x5: {  	s8 =	simm.s32 $0x400;
	s10 =	simm.s32 $0x4200;
	s23 =	simm.s32 $0x1E00  }
0x6: {  	s28 =	simm.s32 $0x2600;
	s29 =	simm.s32 $0x6600;
	s30 =	simm.s32 $0x2A00  }
0x7: {  	s31 =	simm.s32 $0x6A00;
	s9 =	simm.s32 $0x3200;
	s11 =	simm.s32 $0x7200  }
0x8: {  	s12 =	simm.s32 $0x3600;
	s13 =	simm.s32 $0x7600;
	s14 =	simm.s32 $0x3A00  }
0x9: {  	s15 =	simm.s32 $0x7A00;
	s16 =	simm.s32 $0x3E00;
	s17 =	simm.s32 $0x7E00  }
0xa: {  	s18 =	simm.s32 $0x1;
	s19 =	simm.s32 $0x0;
	s4 =	sand.u32 $0x1, s4  }
0xb: {  	[smem:$0x7FF] =	sst s3;
	s6 =	sshll.u32 s6, $0x1;
	s5 =	ssub.s32 $0x2, s4  }
0xc: {  	_ =	strace $0x80000047;
	s4 =	sor.u32 s4, s6;
	s7 =	sshrl.u32 s5, $0x1  }
0xd: {  	s25 =	sshll.u32 s4, $0x6;
	s26 =	sshll.u32 s4, $0xB;
	s24 =	ssub.s32 s5, s7  }
0xe: {  	s4 =	sadd.s32 s0, s25;
	s5 =	sadd.s32 s2, s26;
	s7 =	simm.s32 $0x2  }
0xf: {  	v0 =	vlaneseq.u32;
	s25 =	simm.s32 $0x2200;
	s26 =	simm.s32 $0x6200;
	s0 =	simm.s32 $0x2E00  }
0x10: {  	v1 =	vor.u32 $0x10, v0;
	s2 =	simm.s32 $0x6E00;
	s6 =	smax.u32 s24, $0x1;
	s24 =	simm.s32 $0x5E00  }
.LBB2_1:
0x11: {  	[tilespmem:s3], [sflag:$0x2] =	stream.linear.gather [hbm4b:s4+s3], $0x200, $0x38;
	[tilespmem:$0x8200] =	vst v63  }
0x12: {  	_ =	swait.ge [sflag:s7], $0x200  }
0x13: {  	[sflag:s7] =	ssyncset.done $0x0  }
0x14: {  	s20 =	simm.s32 $0x0;
	[sflag:s7] =	ssyncadd.s32 $0xFFFFFE00  }
0x15: {  	v2 =	vld [tilespmem:s20+$0x0];
	_ =	sdelay $0x4  }
0x16: {  	v2 =	vshll.u32 v2, $0x5  }
0x17: {  	v3 =	vbroadcast v2, $0x0;
	_ =	sdelay $0x1  }
0x18: {  	s20 =	simm.s32 $0x300;
	v4 =	vbroadcast v2, $0x1;
	v5 =	vor.u32 v0, v3  }
0x19: {  	v37 =	vbroadcast v2, $0x2;
	v3 =	vor.u32 v1, v3;
	[tilespmem:s20+$0xFFFFFF00] =	vst v5  }
0x1a: {  	v38 =	vbroadcast v2, $0x3;
	v6 =	vor.u32 v0, v4;
	[tilespmem:s20+$0xFFFFFF10] =	vst v3  }
0x1b: {  	v41 =	vbroadcast v2, $0x4;
	v39 =	vor.u32 v0, v37;
	[tilespmem:s20+$0xFFFFFF20] =	vst v6  }
0x1c: {  	v42 =	vbroadcast v2, $0x5;
	v40 =	vor.u32 v0, v38;
	[tilespmem:s20+$0xFFFFFF40] =	vst v39  }
0x1d: {  	v44 =	vbroadcast v2, $0x6;
	v43 =	vor.u32 v0, v41;
	[tilespmem:s20+$0xFFFFFF60] =	vst v40  }
0x1e: {  	v46 =	vbroadcast v2, $0x7;
	v45 =	vor.u32 v0, v42;
	[tilespmem:s20+$0xFFFFFF80] =	vst v43  }
0x1f: {  	v49 =	vbroadcast v2, $0x8;
	v47 =	vor.u32 v0, v44;
	[tilespmem:s20+$0xFFFFFFA0] =	vst v45  }
0x20: {  	v50 =	vbroadcast v2, $0x9;
	v48 =	vor.u32 v0, v46;
	[tilespmem:s20+$0xFFFFFFC0] =	vst v47  }
0x21: {  	v52 =	vbroadcast v2, $0xA;
	v51 =	vor.u32 v0, v49;
	[tilespmem:s20+$0xFFFFFFE0] =	vst v48  }
0x22: {  	v54 =	vbroadcast v2, $0xB;
	v53 =	vor.u32 v0, v50;
	[tilespmem:s20+$0x0] =	vst v51  }
0x23: {  	v57 =	vbroadcast v2, $0xC;
	v55 =	vor.u32 v0, v52;
	[tilespmem:s20+$0x20] =	vst v53  }
0x24: {  	v58 =	vbroadcast v2, $0xD;
	v56 =	vor.u32 v0, v54;
	[tilespmem:s20+$0x40] =	vst v55  }
0x25: {  	v60 =	vbroadcast v2, $0xE;
	v59 =	vor.u32 v0, v57;
	[tilespmem:s20+$0x60] =	vst v56  }
0x26: {  	v2 =	vbroadcast v2, $0xF;
	v61 =	vor.u32 v0, v58;
	[tilespmem:s20+$0x80] =	vst v59  }
0x27: {  	v62 =	vor.u32 v0, v60;
	[tilespmem:s20+$0xA0] =	vst v61  }
0x28: {  	v63 =	vor.u32 v0, v2;
	[tilespmem:s20+$0xC0] =	vst v62  }
0x29: {  	v2 =	vor.u32 v1, v2;
	[tilespmem:s20+$0xE0] =	vst v63  }
0x2a: {  	v3 =	vor.u32 v1, v4;
	[tilespmem:s20+$0xF0] =	vst v2  }
0x2b: {  	[tilespmem:s20+$0xFFFFFF30] =	vst v3;
	v3 =	vor.u32 v1, v37  }
0x2c: {  	[tilespmem:s20+$0xFFFFFF50] =	vst v3;
	v3 =	vor.u32 v1, v38  }
0x2d: {  	[tilespmem:s20+$0xFFFFFF70] =	vst v3;
	v3 =	vor.u32 v1, v41  }
0x2e: {  	[tilespmem:s20+$0xFFFFFF90] =	vst v3;
	v3 =	vor.u32 v1, v42  }
0x2f: {  	[tilespmem:s20+$0xFFFFFFB0] =	vst v3;
	v3 =	vor.u32 v1, v44  }
0x30: {  	[tilespmem:s20+$0xFFFFFFD0] =	vst v3;
	v3 =	vor.u32 v1, v46  }
0x31: {  	[tilespmem:s20+$0xFFFFFFF0] =	vst v3;
	v3 =	vor.u32 v1, v49  }
0x32: {  	[tilespmem:s20+$0x10] =	vst v3;
	v3 =	vor.u32 v1, v50  }
0x33: {  	[tilespmem:s20+$0x30] =	vst v3;
	v3 =	vor.u32 v1, v52  }
0x34: {  	[tilespmem:s20+$0x50] =	vst v3;
	v3 =	vor.u32 v1, v54  }
0x35: {  	[tilespmem:s20+$0x70] =	vst v3;
	v3 =	vor.u32 v1, v57  }
0x36: {  	[tilespmem:s20+$0x90] =	vst v3;
	v3 =	vor.u32 v1, v58  }
0x37: {  	[tilespmem:s20+$0xB0] =	vst v3;
	v3 =	vor.u32 v1, v60  }
0x38: {  	s22 =	simm.s32 $0x10;
	s21 =	simm.s32 $0x80;
	[tilespmem:s20+$0xD0] =	vst v3  }
.LBB2_2:
0x39: {  	p0 =	sne.s32 s21, $0x7C0;
	v2 =	vld [tilespmem:s22+$0x0];
	_ =	sdelay $0x4  }
0x3a: {  	v2 =	vshll.u32 v2, $0x5  }
0x3b: {  	v3 =	vbroadcast v2, $0x0;
	v4 =	vbroadcast v2, $0x1  }
0x3c: {  	v5 =	vbroadcast v2, $0x2;
	v6 =	vbroadcast v2, $0x3  }
0x3d: {  	s20 =	sadd.s32 $0x200, s20;
	v7 =	vor.u32 v0, v3;
	v3 =	vor.u32 v1, v3;
	v8 =	vor.u32 v0, v4  }
0x3e: {  	v4 =	vor.u32 v1, v4;
	[tilespmem:s20+$0xFFFFFF00] =	vst v7;
	v7 =	vor.u32 v0, v5;
	v5 =	vor.u32 v1, v5  }
0x3f: {  	v9 =	vbroadcast v2, $0x4;
	[tilespmem:s20+$0xFFFFFF10] =	vst v3;
	v3 =	vor.u32 v0, v6;
	v6 =	vor.u32 v1, v6  }
0x40: {  	v10 =	vbroadcast v2, $0x6;
	[tilespmem:s20+$0xFFFFFF20] =	vst v8;
	v8 =	vbroadcast v2, $0x5  }
0x41: {  	v11 =	vbroadcast v2, $0x7;
	[tilespmem:s20+$0xFFFFFF30] =	vst v4;
	v4 =	vor.u32 v0, v9;
	v9 =	vor.u32 v1, v9  }
0x42: {  	v12 =	vor.u32 v0, v10;
	[tilespmem:s20+$0xFFFFFF40] =	vst v7;
	v7 =	vor.u32 v0, v8;
	v8 =	vor.u32 v1, v8  }
0x43: {  	[tilespmem:s20+$0xFFFFFF50] =	vst v5;
	v5 =	vor.u32 v1, v10;
	v10 =	vor.u32 v0, v11;
	v11 =	vor.u32 v1, v11  }
0x44: {  	v13 =	vbroadcast v2, $0x9;
	[tilespmem:s20+$0xFFFFFF60] =	vst v3;
	v3 =	vbroadcast v2, $0x8  }
0x45: {  	v14 =	vbroadcast v2, $0xB;
	[tilespmem:s20+$0xFFFFFF70] =	vst v6;
	v6 =	vbroadcast v2, $0xA  }
0x46: {  	v15 =	vor.u32 v0, v13;
	[tilespmem:s20+$0xFFFFFF80] =	vst v4;
	v4 =	vor.u32 v0, v3;
	v3 =	vor.u32 v1, v3  }
0x47: {  	[tilespmem:s20+$0xFFFFFF90] =	vst v9;
	v9 =	vor.u32 v1, v13;
	v13 =	vor.u32 v0, v6;
	v6 =	vor.u32 v1, v6  }
0x48: {  	v16 =	vbroadcast v2, $0xC;
	[tilespmem:s20+$0xFFFFFFA0] =	vst v7;
	v7 =	vor.u32 v0, v14;
	v14 =	vor.u32 v1, v14  }
0x49: {  	v17 =	vbroadcast v2, $0xE;
	[tilespmem:s20+$0xFFFFFFB0] =	vst v8;
	v8 =	vbroadcast v2, $0xD  }
0x4a: {  	v2 =	vbroadcast v2, $0xF;
	[tilespmem:s20+$0xFFFFFFC0] =	vst v12;
	v12 =	vor.u32 v0, v16;
	v16 =	vor.u32 v1, v16  }
0x4b: {  	v18 =	vor.u32 v0, v17;
	[tilespmem:s20+$0xFFFFFFD0] =	vst v5;
	v5 =	vor.u32 v0, v8;
	v8 =	vor.u32 v1, v8  }
0x4c: {  	[tilespmem:s20+$0xFFFFFFE0] =	vst v10;
	v10 =	vor.u32 v1, v17;
	v17 =	vor.u32 v0, v2;
	v2 =	vor.u32 v1, v2  }
0x4d: {  	[tilespmem:s20+$0xFFFFFFF0] =	vst v11  }
0x4e: {  	[tilespmem:s20+$0x0] =	vst v4  }
0x4f: {  	[tilespmem:s20+$0x10] =	vst v3  }
0x50: {  	[tilespmem:s20+$0x20] =	vst v15  }
0x51: {  	[tilespmem:s20+$0x30] =	vst v9  }
0x52: {  	[tilespmem:s20+$0x40] =	vst v13  }
0x53: {  	[tilespmem:s20+$0x50] =	vst v6  }
0x54: {  	[tilespmem:s20+$0x60] =	vst v7  }
0x55: {  	[tilespmem:s20+$0x70] =	vst v14  }
0x56: {  	[tilespmem:s20+$0x80] =	vst v12  }
0x57: {  	[tilespmem:s20+$0x90] =	vst v16  }
0x58: {  	[tilespmem:s20+$0xA0] =	vst v5  }
.Ltmp0:
0x59: {  	[tilespmem:s20+$0xB0] =	vst v8;
	(pc) =	sbr.rel @p0 .LBB2_2-.Ltmp0, $4  }
0x5a: {  	[tilespmem:s20+$0xC0] =	vst v18  }
0x5b: {  	[tilespmem:s20+$0xD0] =	vst v10  }
0x5c: {  	[tilespmem:s20+$0xE0] =	vst v17  }
0x5d: {  	s22 =	sshra.s32 s21, $0x2;
	s21 =	sadd.s32 $0x40, s21;
	[tilespmem:s20+$0xF0] =	vst v2  }
0x5e: {  	v2 =	vld [tilespmem:s22+$0x0];
	_ =	sdelay $0x4  }
0x5f: {  	v2 =	vshll.u32 v2, $0x5  }
0x60: {  	v3 =	vbroadcast v2, $0x0;
	_ =	sdelay $0x1  }
0x61: {  	s20 =	sadd.s32 $0x200, s20;
	v4 =	vbroadcast v2, $0x1;
	v5 =	vor.u32 v0, v3  }
0x62: {  	v37 =	vbroadcast v2, $0x2;
	v3 =	vor.u32 v1, v3;
	[tilespmem:s20+$0xFFFFFF00] =	vst v5  }
0x63: {  	v38 =	vbroadcast v2, $0x3;
	v6 =	vor.u32 v0, v4;
	[tilespmem:s20+$0xFFFFFF10] =	vst v3  }
0x64: {  	v41 =	vbroadcast v2, $0x4;
	v39 =	vor.u32 v0, v37;
	[tilespmem:s20+$0xFFFFFF20] =	vst v6  }
0x65: {  	v42 =	vbroadcast v2, $0x5;
	v40 =	vor.u32 v0, v38;
	[tilespmem:s20+$0xFFFFFF40] =	vst v39  }
0x66: {  	v44 =	vbroadcast v2, $0x6;
	v43 =	vor.u32 v0, v41;
	[tilespmem:s20+$0xFFFFFF60] =	vst v40  }
0x67: {  	v46 =	vbroadcast v2, $0x7;
	v45 =	vor.u32 v0, v42;
	[tilespmem:s20+$0xFFFFFF80] =	vst v43  }
0x68: {  	v49 =	vbroadcast v2, $0x8;
	v47 =	vor.u32 v0, v44;
	[tilespmem:s20+$0xFFFFFFA0] =	vst v45  }
0x69: {  	v50 =	vbroadcast v2, $0x9;
	v48 =	vor.u32 v0, v46;
	[tilespmem:s20+$0xFFFFFFC0] =	vst v47  }
0x6a: {  	v52 =	vbroadcast v2, $0xA;
	v51 =	vor.u32 v0, v49;
	[tilespmem:s20+$0xFFFFFFE0] =	vst v48  }
0x6b: {  	v54 =	vbroadcast v2, $0xB;
	v53 =	vor.u32 v0, v50;
	[tilespmem:s20+$0x0] =	vst v51  }
0x6c: {  	v57 =	vbroadcast v2, $0xC;
	v55 =	vor.u32 v0, v52;
	[tilespmem:s20+$0x20] =	vst v53  }
0x6d: {  	v58 =	vbroadcast v2, $0xD;
	v56 =	vor.u32 v0, v54;
	[tilespmem:s20+$0x40] =	vst v55  }
0x6e: {  	v60 =	vbroadcast v2, $0xE;
	v59 =	vor.u32 v0, v57;
	[tilespmem:s20+$0x60] =	vst v56  }
0x6f: {  	v2 =	vbroadcast v2, $0xF;
	v61 =	vor.u32 v0, v58;
	[tilespmem:s20+$0x80] =	vst v59  }
0x70: {  	v62 =	vor.u32 v0, v60;
	[tilespmem:s20+$0xA0] =	vst v61  }
0x71: {  	v63 =	vor.u32 v0, v2;
	[tilespmem:s20+$0xC0] =	vst v62  }
0x72: {  	v2 =	vor.u32 v1, v2;
	[tilespmem:s20+$0xE0] =	vst v63  }
0x73: {  	v3 =	vor.u32 v1, v4;
	[tilespmem:s20+$0xF0] =	vst v2  }
0x74: {  	[tilespmem:s20+$0xFFFFFF30] =	vst v3;
	v3 =	vor.u32 v1, v37  }
0x75: {  	[tilespmem:s20+$0xFFFFFF50] =	vst v3;
	v3 =	vor.u32 v1, v38  }
0x76: {  	[tilespmem:s20+$0xFFFFFF70] =	vst v3;
	v3 =	vor.u32 v1, v41  }
0x77: {  	[tilespmem:s20+$0xFFFFFF90] =	vst v3;
	v3 =	vor.u32 v1, v42  }
0x78: {  	[tilespmem:s20+$0xFFFFFFB0] =	vst v3;
	v3 =	vor.u32 v1, v44  }
0x79: {  	[tilespmem:s20+$0xFFFFFFD0] =	vst v3;
	v3 =	vor.u32 v1, v46  }
0x7a: {  	[tilespmem:s20+$0xFFFFFFF0] =	vst v3;
	v3 =	vor.u32 v1, v49  }
0x7b: {  	[tilespmem:s20+$0x10] =	vst v3;
	v3 =	vor.u32 v1, v50  }
0x7c: {  	[tilespmem:s20+$0x30] =	vst v3;
	v3 =	vor.u32 v1, v52  }
0x7d: {  	[tilespmem:s20+$0x50] =	vst v3;
	v3 =	vor.u32 v1, v54  }
0x7e: {  	[tilespmem:s20+$0x70] =	vst v3;
	v3 =	vor.u32 v1, v57  }
0x7f: {  	[tilespmem:s20+$0x90] =	vst v3;
	v3 =	vor.u32 v1, v58  }
0x80: {  	[tilespmem:s20+$0xB0] =	vst v3;
	v3 =	vor.u32 v1, v60  }
0x81: {  	s21 =	simm.s32 $0x200;
	[tilespmem:s20+$0xD0] =	vst v3  }
0x82: {  	[tilespmem:s10], [sflag:$0x1] =	stream.indirect.gather [hbm4b:s1+s8], $0x1, s21, s8, $0xb8;
	[tilespmem:$0x8200] =	vst v63  }
0x83: {  	s22 =	simm.s32 $0x600;
	s21 =	simm.s32 $0x4600  }
0x84: {  	[tilespmem:s21], [sflag:$0x1] =	stream.indirect.gather [hbm4b:s1+s8], $0x1, s22, s8, $0xb8;
	[tilespmem:$0x8200] =	vst v63  }
0x85: {  	s21 =	simm.s32 $0xA00;
	s22 =	simm.s32 $0x4A00  }
0x86: {  	[tilespmem:s22], [sflag:$0x1] =	stream.indirect.gather [hbm4b:s1+s8], $0x1, s21, s8, $0xb8;
	[tilespmem:$0x8200] =	vst v63  }
0x87: {  	s21 =	simm.s32 $0xE00;
	s22 =	simm.s32 $0x4E00  }
0x88: {  	[tilespmem:s22], [sflag:$0x1] =	stream.indirect.gather [hbm4b:s1+s8], $0x1, s21, s8, $0xb8;
	[tilespmem:$0x8200] =	vst v63  }
0x89: {  	s21 =	simm.s32 $0x1200;
	s22 =	simm.s32 $0x5200  }
0x8a: {  	[tilespmem:s22], [sflag:$0x1] =	stream.indirect.gather [hbm4b:s1+s8], $0x1, s21, s8, $0xb8;
	[tilespmem:$0x8200] =	vst v63  }
0x8b: {  	s21 =	simm.s32 $0x1600;
	s22 =	simm.s32 $0x5600  }
0x8c: {  	[tilespmem:s22], [sflag:$0x1] =	stream.indirect.gather [hbm4b:s1+s8], $0x1, s21, s8, $0xb8;
	[tilespmem:$0x8200] =	vst v63  }
0x8d: {  	s21 =	simm.s32 $0x1A00;
	s22 =	simm.s32 $0x5A00  }
0x8e: {  	[tilespmem:s22], [sflag:$0x1] =	stream.indirect.gather [hbm4b:s1+s8], $0x1, s21, s8, $0xb8;
	[tilespmem:$0x8200] =	vst v63  }
0x8f: {  	_ = 	snop  }
0x90: {  	[tilespmem:s24], [sflag:$0x1] =	stream.indirect.gather [hbm4b:s1+s8], $0x1, s23, s8, $0xb8;
	[tilespmem:$0x8200] =	vst v63  }
0x91: {  	_ = 	snop  }
0x92: {  	[tilespmem:s26], [sflag:$0x1] =	stream.indirect.gather [hbm4b:s1+s8], $0x1, s25, s8, $0xb8;
	[tilespmem:$0x8200] =	vst v63  }
0x93: {  	_ = 	snop  }
0x94: {  	[tilespmem:s29], [sflag:$0x1] =	stream.indirect.gather [hbm4b:s1+s8], $0x1, s28, s8, $0xb8;
	[tilespmem:$0x8200] =	vst v63  }
0x95: {  	_ = 	snop  }
0x96: {  	[tilespmem:s31], [sflag:$0x1] =	stream.indirect.gather [hbm4b:s1+s8], $0x1, s30, s8, $0xb8;
	[tilespmem:$0x8200] =	vst v63  }
0x97: {  	_ = 	snop  }
0x98: {  	[tilespmem:s2], [sflag:$0x1] =	stream.indirect.gather [hbm4b:s1+s8], $0x1, s0, s8, $0xb8;
	[tilespmem:$0x8200] =	vst v63  }
0x99: {  	_ = 	snop  }
0x9a: {  	[tilespmem:s11], [sflag:$0x1] =	stream.indirect.gather [hbm4b:s1+s8], $0x1, s9, s8, $0xb8;
	[tilespmem:$0x8200] =	vst v63  }
0x9b: {  	_ = 	snop  }
0x9c: {  	[tilespmem:s13], [sflag:$0x1] =	stream.indirect.gather [hbm4b:s1+s8], $0x1, s12, s8, $0xb8;
	[tilespmem:$0x8200] =	vst v63  }
0x9d: {  	_ = 	snop  }
0x9e: {  	[tilespmem:s15], [sflag:$0x1] =	stream.indirect.gather [hbm4b:s1+s8], $0x1, s14, s8, $0xb8;
	[tilespmem:$0x8200] =	vst v63  }
0x9f: {  	_ = 	snop  }
0xa0: {  	[tilespmem:s17], [sflag:$0x1] =	stream.indirect.gather [hbm4b:s1+s8], $0x1, s16, s8, $0xb8;
	[tilespmem:$0x8200] =	vst v63  }
0xa1: {  	_ =	swait.ge [sflag:s18], $0x400  }
0xa2: {  	[sflag:s18] =	ssyncset.done $0x0  }
0xa3: {  	[sflag:s18] =	ssyncadd.s32 $0xFFFFFC00  }
0xa4: {  	_ =	swait.ge [sflag:s18], $0x400  }
0xa5: {  	[sflag:s18] =	ssyncset.done $0x0  }
0xa6: {  	[sflag:s18] =	ssyncadd.s32 $0xFFFFFC00  }
0xa7: {  	_ =	swait.ge [sflag:s18], $0x400  }
0xa8: {  	[sflag:s18] =	ssyncset.done $0x0  }
0xa9: {  	[sflag:s18] =	ssyncadd.s32 $0xFFFFFC00  }
0xaa: {  	_ =	swait.ge [sflag:s18], $0x400  }
0xab: {  	[sflag:s18] =	ssyncset.done $0x0  }
0xac: {  	[sflag:s18] =	ssyncadd.s32 $0xFFFFFC00  }
0xad: {  	_ =	swait.ge [sflag:s18], $0x400  }
0xae: {  	[sflag:s18] =	ssyncset.done $0x0  }
0xaf: {  	[sflag:s18] =	ssyncadd.s32 $0xFFFFFC00  }
0xb0: {  	_ =	swait.ge [sflag:s18], $0x400  }
0xb1: {  	[sflag:s18] =	ssyncset.done $0x0  }
0xb2: {  	[sflag:s18] =	ssyncadd.s32 $0xFFFFFC00  }
0xb3: {  	_ =	swait.ge [sflag:s18], $0x400  }
0xb4: {  	[sflag:s18] =	ssyncset.done $0x0  }
0xb5: {  	[sflag:s18] =	ssyncadd.s32 $0xFFFFFC00  }
0xb6: {  	_ =	swait.ge [sflag:s18], $0x400  }
0xb7: {  	[sflag:s18] =	ssyncset.done $0x0  }
0xb8: {  	[sflag:s18] =	ssyncadd.s32 $0xFFFFFC00  }
0xb9: {  	_ =	swait.ge [sflag:s18], $0x400  }
0xba: {  	[sflag:s18] =	ssyncset.done $0x0  }
0xbb: {  	[sflag:s18] =	ssyncadd.s32 $0xFFFFFC00  }
0xbc: {  	_ =	swait.ge [sflag:s18], $0x400  }
0xbd: {  	[sflag:s18] =	ssyncset.done $0x0  }
0xbe: {  	[sflag:s18] =	ssyncadd.s32 $0xFFFFFC00  }
0xbf: {  	_ =	swait.ge [sflag:s18], $0x400  }
0xc0: {  	[sflag:s18] =	ssyncset.done $0x0  }
0xc1: {  	[sflag:s18] =	ssyncadd.s32 $0xFFFFFC00  }
0xc2: {  	_ =	swait.ge [sflag:s18], $0x400  }
0xc3: {  	[sflag:s18] =	ssyncset.done $0x0  }
0xc4: {  	[sflag:s18] =	ssyncadd.s32 $0xFFFFFC00  }
0xc5: {  	_ =	swait.ge [sflag:s18], $0x400  }
0xc6: {  	[sflag:s18] =	ssyncset.done $0x0  }
0xc7: {  	[sflag:s18] =	ssyncadd.s32 $0xFFFFFC00  }
0xc8: {  	_ =	swait.ge [sflag:s18], $0x400  }
0xc9: {  	[sflag:s18] =	ssyncset.done $0x0  }
0xca: {  	[sflag:s18] =	ssyncadd.s32 $0xFFFFFC00  }
0xcb: {  	_ =	swait.ge [sflag:s18], $0x400  }
0xcc: {  	[sflag:s18] =	ssyncset.done $0x0  }
0xcd: {  	[sflag:s18] =	ssyncadd.s32 $0xFFFFFC00  }
0xce: {  	s19 =	sadd.s32 $0x1, s19;
	_ =	swait.ge [sflag:s18], $0x400  }
0xcf: {  	p0 =	sne.s32 s19, s6;
	[sflag:s18] =	ssyncset.done $0x0  }
.Ltmp1:
0xd0: {  	[sflag:s18] =	ssyncadd.s32 $0xFFFFFC00;
	(pc) =	sbr.rel @p0 .LBB2_1-.Ltmp1, $4  }
0xd1: {  	[hbm4b:s5+s3] =	stream.linear.scatter [tilespmem:s10], [sflag:$0x2], $0x4000, $0x38;
	[tilespmem:$0x8200] =	vst v63  }
0xd2: {  	_ =	swait.ge [sflag:s7], $0x4000  }
0xd3: {  	[sflag:s7] =	ssyncset.done $0x0  }
0xd4: {  	[sflag:s7] =	ssyncadd.s32 $0xFFFFC000  }
0xd5: {  	_ =	sfence.sel $0x180000  }
0xd6: {  	[bflag:$0x0] =	sbarrier.arrive $0xFFFF  }
0xd7: {  	_ =	strace $0x90000047  }
0xd8: {  	s0 =	stileid.u32;
	[bflag:$0x2] =	sbarrier.arrive $0xFFFF  }
0xd9: {  	p0 =	sne.s32 s0, $0x0;
	s0 =	rddreg [dreg:$0x3]  }
0xda: {  	s0 =	sadd.s32 @!p0 $0x100000, s0  }
0xdb: {  	[sflag:s0] =	ssyncadd.tile.s32 @!p0 $0x1;
	_ =	shalt  }
.Lfunc_end2:
_tile_overlayer_lowered:
.L_overlay_start_2:
0xdc: {  	(tag) =	ssettag $0x2  }
0xdd: {  	s0 =	rddreg [dreg:$0x0];
	s2 =	stileid.u32  }
0xde: {  	s1 =	rddreg [dreg:$0x1];
	p0 =	sne.s32 s2, $0x0  }
0xdf: {  	s3 =	rddreg [dreg:$0x2];
	[bflag:$0x3] =	sbarrier.arrive $0xFFFF;
	s2 =	simm.s32 @!p0 $0x1C02  }
0xe0: {  	[timem:s3], [sflag:s2] =	dma.local @!p0 [hbm:s0], s1  }
0xe1: {  	s0 =	simm.s32 @!p0 $0x2  }
0xe2: {  	_ =	swait.ge @!p0 [sflag:s0], s1  }
0xe3: {  	s1 =	ssub.s32 @!p0 $0x0, s1;
	[sflag:s0] =	ssyncset.done @!p0 $0x0  }
0xe4: {  	[sflag:s0] =	ssyncadd.s32 @!p0 s1  }
0xe5: {  	[bflag:$0x3] =	sbarrier.arrive $0xFFFF  }
0xe6: {  	_ =	shalt  }

</sc_bundles>
